<compile_context>
chip_gen: v7x
topology: tpu7x:2x2x1
jax: 0.10.2.dev20260603
libtpu: 0.0.44.dev20260713+nightly
codegen_flags: <defaults>
</compile_context>

<pallas_src>
import jax
import jax.numpy as jnp
from jax import lax
from jax.experimental import pallas as pl
from jax.experimental.pallas import tpu as pltpu
from jax.experimental.pallas import tpu_sc as plsc

_B = 4096
_L = 20
_H = 64
_V = 1000

_NC = 2
_NS = 16
_NW = _NC * _NS
_BPW = _B // _NW


def _make_sc_pool(nb):
    bpw = nb // _NW

    def body(ids_hbm, table_hbm, out_hbm, table_v, ids_v, out_v):
        wid = lax.axis_index("c") * _NS + lax.axis_index("s")
        base_b = wid * bpw
        pltpu.sync_copy(table_hbm, table_v)
        pltpu.sync_copy(ids_hbm.at[pl.ds(base_b * _L, bpw * _L)], ids_v)

        def pair_body(p, carry):
            f = p * (2 * _L)
            v0 = ids_v[pl.ds(f, 16)] * _H
            v1 = ids_v[pl.ds(f + 16, 16)] * _H
            v2 = ids_v[pl.ds(f + 24, 16)] * _H
            offs_r = (
                [v0[i] for i in range(16)] + [v1[i] for i in range(4)],
                [v1[i] for i in range(4, 16)] + [v2[i] for i in range(8, 16)],
            )
            for r in range(2):
                offs = offs_r[r]
                for g in range(_H // 16):
                    acc = table_v[pl.ds(offs[0] + g * 16, 16)]
                    for l in range(1, _L):
                        acc = acc + table_v[pl.ds(offs[l] + g * 16, 16)]
                    out_v[2 * p + r, pl.ds(g * 16, 16)] = acc
            return carry

        lax.fori_loop(0, bpw // 2, pair_body, 0)
        pltpu.sync_copy(out_v, out_hbm.at[pl.ds(base_b, bpw), :])

    return pl.kernel(
        body,
        out_type=jax.ShapeDtypeStruct((nb, _H), jnp.float32),
        mesh=plsc.VectorSubcoreMesh(core_axis_name="c", subcore_axis_name="s"),
        compiler_params=pltpu.CompilerParams(needs_layout_passes=False),
        scratch_types=[
            pltpu.VMEM((_V * _H,), jnp.float32),
            pltpu.VMEM((bpw * _L,), jnp.int32),
            pltpu.VMEM((bpw, _H), jnp.float32),
        ],
    )


_sc_pool = _make_sc_pool(_B)


_TB = 64
_NQ = 4


def _make_tc_body(base, aliased):
    def body(*refs):
        if aliased:
            x_ref, w_ref, b_ref, _, out_ref, bc_ref, sems = refs
        else:
            x_ref, w_ref, b_ref, out_ref, bc_ref, sems = refs
        i = pl.program_id(0)
        nsteps = pl.num_programs(0)
        slot = lax.rem(i, _NQ)

        @pl.when(i >= _NQ)
        def _():
            pltpu.make_async_copy(
                bc_ref.at[slot], out_ref.at[pl.ds(0, _TB)], sems.at[slot]
            ).wait()

        x = x_ref[:, :] * (1.0 / _L)
        y = jnp.dot(x, w_ref[:, :], preferred_element_type=jnp.float32)
        y = y + b_ref[:, :]
        for l in range(_L):
            bc_ref[slot, :, l, :] = y
        pltpu.make_async_copy(
            bc_ref.at[slot],
            out_ref.at[pl.ds(base + i * _TB, _TB)],
            sems.at[slot],
        ).start()

        @pl.when(i == nsteps - 1)
        def _():
            for q in range(_NQ):
                pltpu.make_async_copy(
                    bc_ref.at[q], out_ref.at[pl.ds(0, _TB)], sems.at[q]
                ).wait()

    return body


def _tc_project(pooled, W, b2d, base, prev=None):
    nb = pooled.shape[0]
    in_specs = [
        pl.BlockSpec((_TB, _H), lambda i: (i, 0)),
        pl.BlockSpec((_H, _V), lambda i: (0, 0)),
        pl.BlockSpec((1, _V), lambda i: (0, 0)),
    ]
    args = [pooled, W, b2d]
    kwargs = {}
    if prev is not None:
        in_specs.append(pl.BlockSpec(memory_space=pl.ANY))
        args.append(prev)
        kwargs["input_output_aliases"] = {3: 0}
    return pl.pallas_call(
        _make_tc_body(base, prev is not None),
        grid=(nb // _TB,),
        in_specs=in_specs,
        out_specs=pl.BlockSpec(memory_space=pl.ANY),
        out_shape=jax.ShapeDtypeStruct((_B, _L, _V), jnp.float32),
        scratch_shapes=[
            pltpu.VMEM((_NQ, _TB, _L, _V), jnp.float32),
            pltpu.SemaphoreType.DMA((_NQ,)),
        ],
        compiler_params=pltpu.CompilerParams(
            dimension_semantics=("arbitrary",)),
        **kwargs,
    )(*args)


def kernel(input_ids, emb_table, W, b):
    ids_flat = input_ids.astype(jnp.int32).reshape(-1)
    table_flat = emb_table.reshape(-1)
    b2d = b.reshape(1, _V)
    pooled = _sc_pool(ids_flat, table_flat)
    return _tc_project(pooled, W, b2d, 0)

# --- scband reference (transcript-rebuilt; emitter-appended) ---
"""Pipeline reference for scband-dummy-model-27900107555354 (READ-ONLY COPY).

The authoritative reference and input builder live on the scoring server;
editing this copy changes nothing except your own understanding.
"""

import jax, jax.numpy as jnp
import numpy as np

VOCAB = 1000
HIDDEN = 64
BATCH = 4096
SEQ = 20


def setup_inputs(seed: int = 0) -> dict:
    key = jax.random.key(seed)
    k_ids, k_emb, k_w, k_b = jax.random.split(key, 4)
    input_ids = jax.random.randint(k_ids, (BATCH, SEQ), 0, VOCAB, dtype=jnp.int64 if jax.config.jax_enable_x64 else jnp.int32)
    emb_table = jax.random.normal(k_emb, (VOCAB, HIDDEN), dtype=jnp.float32)
    bound = 1.0 / np.sqrt(HIDDEN)
    W = jax.random.uniform(k_w, (HIDDEN, VOCAB), minval=-bound, maxval=bound, dtype=jnp.float32)
    b = jax.random.uniform(k_b, (VOCAB,), minval=-bound, maxval=bound, dtype=jnp.float32)
    return {"input_ids": input_ids, "emb_table": emb_table, "W": W, "b": b}


def reference(input_ids, emb_table, W, b):
    # x = embedding(input_ids)
    x = jnp.take(emb_table, input_ids, axis=0)              # [B, L, H]
    # logits = Linear(x.mean(dim=1, keepdim=True).expand(-1, L, -1))
    m = jnp.mean(x, axis=1, keepdims=True)                  # [B, 1, H]
    pooled = jnp.broadcast_to(m, x.shape)                   # [B, L, H]
    logits = jnp.einsum('blh,hv->blv', pooled, W) + b       # [B, L, V]
    return logits

if __name__ == "__main__":
    import jax
    _d = setup_inputs()
    print(jax.jit(kernel)(*tuple(_d.values())))

</pallas_src>

<mosaic_0001>
#map = affine_map<(d0, d1) -> (0)>
#map1 = affine_map<(d0, d1) -> (0, 0)>
module attributes {stable_mosaic.version = 14 : i64} {
  func.func @body(%arg0: i32, %arg1: i32, %arg2: memref<81920xi32, #tpu.memory_space<hbm>>, %arg3: memref<64000xf32, #tpu.memory_space<hbm>>, %arg4: memref<4096x64xf32, #tpu.memory_space<hbm>>, %arg5: memref<64000xf32, #tpu.memory_space<vmem>>, %arg6: memref<2560xi32, #tpu.memory_space<vmem>>, %arg7: memref<128x64xf32, #tpu.memory_space<vmem>>) attributes {dimension_semantics = [#tpu.dimension_semantics<core_parallel>, #tpu.dimension_semantics<subcore_parallel>], iteration_bounds = array<i64: 2, 16>, scalar_prefetch = 0 : i64, scratch_operands = 3 : i64, tpu.core_type = #tpu.core_type<sc_vector_subcore>, window_params = [{transform_indices = #map}, {transform_indices = #map}, {transform_indices = #map1}]} {
    %mul3A = arith.constant 16 : i32
    %mul3A_0 = arith.muli %arg0, %mul3A : i32
    %add3A = arith.addi %mul3A_0, %arg1 : i32
    %mul3A_1 = arith.constant 128 : i32
    %mul3A_2 = arith.muli %add3A, %mul3A_1 : i32
    "tpu.region"() ({
      %run_scoped3A = tpu.sem_alloc : memref<!tpu.dma_semaphore, #tpu.memory_space<semaphore_mem>>
      tpu.enqueue_dma source(%arg3 : memref<64000xf32, #tpu.memory_space<hbm>>) target(%arg5 : memref<64000xf32, #tpu.memory_space<vmem>>) target_semaphore(%run_scoped3A : memref<!tpu.dma_semaphore, #tpu.memory_space<semaphore_mem>>)
      tpu.wait_dma2 semaphore(%run_scoped3A : memref<!tpu.dma_semaphore, #tpu.memory_space<semaphore_mem>>) src(%arg3 : memref<64000xf32, #tpu.memory_space<hbm>>) dst(%arg5 : memref<64000xf32, #tpu.memory_space<vmem>>)
      tpu.yield
    }) : () -> ()
    %mul3A_3 = arith.constant 20 : i32
    %mul3A_4 = arith.muli %mul3A_2, %mul3A_3 : i32
    "tpu.region"() ({
      %run_scoped3A = tpu.sem_alloc : memref<!tpu.dma_semaphore, #tpu.memory_space<semaphore_mem>>
      %dma_start3A = tpu.memref_slice %arg2[%mul3A_4] : memref<81920xi32, #tpu.memory_space<hbm>> -> memref<2560xi32, #tpu.memory_space<hbm>>
      %dma_start3A_10 = tpu.memref_slice %arg2[%mul3A_4] : memref<81920xi32, #tpu.memory_space<hbm>> -> memref<2560xi32, #tpu.memory_space<hbm>>
      tpu.enqueue_dma source(%dma_start3A_10 : memref<2560xi32, #tpu.memory_space<hbm>>) target(%arg6 : memref<2560xi32, #tpu.memory_space<vmem>>) target_semaphore(%run_scoped3A : memref<!tpu.dma_semaphore, #tpu.memory_space<semaphore_mem>>)
      %dma_wait3A = tpu.memref_slice %arg2[%mul3A_4] : memref<81920xi32, #tpu.memory_space<hbm>> -> memref<2560xi32, #tpu.memory_space<hbm>>
      %dma_wait3A_11 = tpu.memref_slice %arg2[%mul3A_4] : memref<81920xi32, #tpu.memory_space<hbm>> -> memref<2560xi32, #tpu.memory_space<hbm>>
      tpu.wait_dma2 semaphore(%run_scoped3A : memref<!tpu.dma_semaphore, #tpu.memory_space<semaphore_mem>>) src(%dma_wait3A_11 : memref<2560xi32, #tpu.memory_space<hbm>>) dst(%arg6 : memref<2560xi32, #tpu.memory_space<vmem>>)
      tpu.yield
    }) : () -> ()
    %scan3A = arith.constant 0 : i32
    %scan3A_5 = arith.constant 0 : i32
    %scan3A_6 = arith.constant 64 : i32
    %scan3A_7 = arith.addi %scan3A_5, %scan3A_6 : i32
    %scan3A_8 = arith.constant 1 : i32
    scf.for %scan3A_10 = %scan3A_5 to %scan3A_7 step %scan3A_8  : i32 {
      %mul3A_11 = arith.constant 40 : i32
      %mul3A_12 = arith.muli %scan3A_10, %mul3A_11 : i32
      %get3A = arith.index_cast %mul3A_12 : i32 to index
      %get3A_13 = tpu.vector_load %arg6[%get3A] {strides = array<i32>} : memref<2560xi32, #tpu.memory_space<vmem>>, vector<16xi32>,
      %mul3A_14 = arith.constant 64 : i32
      %mul3A_15 = vector.broadcast %mul3A_14 : i32 to vector<16xi32>
      %mul3A_16 = arith.muli %get3A_13, %mul3A_15 : vector<16xi32>
      %add3A_17 = arith.constant 16 : i32
      %add3A_18 = arith.addi %mul3A_12, %add3A_17 : i32
      %get3A_19 = arith.index_cast %add3A_18 : i32 to index
      %get3A_20 = tpu.vector_load %arg6[%get3A_19] {strides = array<i32>} : memref<2560xi32, #tpu.memory_space<vmem>>, vector<16xi32>,
      %mul3A_21 = arith.constant 64 : i32
      %mul3A_22 = vector.broadcast %mul3A_21 : i32 to vector<16xi32>
      %mul3A_23 = arith.muli %get3A_20, %mul3A_22 : vector<16xi32>
      %add3A_24 = arith.constant 24 : i32
      %add3A_25 = arith.addi %mul3A_12, %add3A_24 : i32
      %get3A_26 = arith.index_cast %add3A_25 : i32 to index
      %get3A_27 = tpu.vector_load %arg6[%get3A_26] {strides = array<i32>} : memref<2560xi32, #tpu.memory_space<vmem>>, vector<16xi32>,
      %mul3A_28 = arith.constant 64 : i32
      %mul3A_29 = vector.broadcast %mul3A_28 : i32 to vector<16xi32>
      %mul3A_30 = arith.muli %get3A_27, %mul3A_29 : vector<16xi32>
      %slice3A = vector.extract_strided_slice %mul3A_16 {offsets = [0], sizes = [1], strides = [1]} : vector<16xi32> to vector<1xi32>
      %squeeze3A = vector.extract %slice3A[0] : i32 from vector<1xi32>
      %slice3A_31 = vector.extract_strided_slice %mul3A_16 {offsets = [1], sizes = [1], strides = [1]} : vector<16xi32> to vector<1xi32>
      %squeeze3A_32 = vector.extract %slice3A_31[0] : i32 from vector<1xi32>
      %slice3A_33 = vector.extract_strided_slice %mul3A_16 {offsets = [2], sizes = [1], strides = [1]} : vector<16xi32> to vector<1xi32>
      %squeeze3A_34 = vector.extract %slice3A_33[0] : i32 from vector<1xi32>
      %slice3A_35 = vector.extract_strided_slice %mul3A_16 {offsets = [3], sizes = [1], strides = [1]} : vector<16xi32> to vector<1xi32>
      %squeeze3A_36 = vector.extract %slice3A_35[0] : i32 from vector<1xi32>
      %slice3A_37 = vector.extract_strided_slice %mul3A_16 {offsets = [4], sizes = [1], strides = [1]} : vector<16xi32> to vector<1xi32>
      %squeeze3A_38 = vector.extract %slice3A_37[0] : i32 from vector<1xi32>
      %slice3A_39 = vector.extract_strided_slice %mul3A_16 {offsets = [5], sizes = [1], strides = [1]} : vector<16xi32> to vector<1xi32>
      %squeeze3A_40 = vector.extract %slice3A_39[0] : i32 from vector<1xi32>
      %slice3A_41 = vector.extract_strided_slice %mul3A_16 {offsets = [6], sizes = [1], strides = [1]} : vector<16xi32> to vector<1xi32>
      %squeeze3A_42 = vector.extract %slice3A_41[0] : i32 from vector<1xi32>
      %slice3A_43 = vector.extract_strided_slice %mul3A_16 {offsets = [7], sizes = [1], strides = [1]} : vector<16xi32> to vector<1xi32>
      %squeeze3A_44 = vector.extract %slice3A_43[0] : i32 from vector<1xi32>
      %slice3A_45 = vector.extract_strided_slice %mul3A_16 {offsets = [8], sizes = [1], strides = [1]} : vector<16xi32> to vector<1xi32>
      %squeeze3A_46 = vector.extract %slice3A_45[0] : i32 from vector<1xi32>
      %slice3A_47 = vector.extract_strided_slice %mul3A_16 {offsets = [9], sizes = [1], strides = [1]} : vector<16xi32> to vector<1xi32>
      %squeeze3A_48 = vector.extract %slice3A_47[0] : i32 from vector<1xi32>
      %slice3A_49 = vector.extract_strided_slice %mul3A_16 {offsets = [10], sizes = [1], strides = [1]} : vector<16xi32> to vector<1xi32>
      %squeeze3A_50 = vector.extract %slice3A_49[0] : i32 from vector<1xi32>
      %slice3A_51 = vector.extract_strided_slice %mul3A_16 {offsets = [11], sizes = [1], strides = [1]} : vector<16xi32> to vector<1xi32>
      %squeeze3A_52 = vector.extract %slice3A_51[0] : i32 from vector<1xi32>
      %slice3A_53 = vector.extract_strided_slice %mul3A_16 {offsets = [12], sizes = [1], strides = [1]} : vector<16xi32> to vector<1xi32>
      %squeeze3A_54 = vector.extract %slice3A_53[0] : i32 from vector<1xi32>
      %slice3A_55 = vector.extract_strided_slice %mul3A_16 {offsets = [13], sizes = [1], strides = [1]} : vector<16xi32> to vector<1xi32>
      %squeeze3A_56 = vector.extract %slice3A_55[0] : i32 from vector<1xi32>
      %slice3A_57 = vector.extract_strided_slice %mul3A_16 {offsets = [14], sizes = [1], strides = [1]} : vector<16xi32> to vector<1xi32>
      %squeeze3A_58 = vector.extract %slice3A_57[0] : i32 from vector<1xi32>
      %slice3A_59 = vector.extract_strided_slice %mul3A_16 {offsets = [15], sizes = [1], strides = [1]} : vector<16xi32> to vector<1xi32>
      %squeeze3A_60 = vector.extract %slice3A_59[0] : i32 from vector<1xi32>
      %slice3A_61 = vector.extract_strided_slice %mul3A_23 {offsets = [0], sizes = [1], strides = [1]} : vector<16xi32> to vector<1xi32>
      %squeeze3A_62 = vector.extract %slice3A_61[0] : i32 from vector<1xi32>
      %slice3A_63 = vector.extract_strided_slice %mul3A_23 {offsets = [1], sizes = [1], strides = [1]} : vector<16xi32> to vector<1xi32>
      %squeeze3A_64 = vector.extract %slice3A_63[0] : i32 from vector<1xi32>
      %slice3A_65 = vector.extract_strided_slice %mul3A_23 {offsets = [2], sizes = [1], strides = [1]} : vector<16xi32> to vector<1xi32>
      %squeeze3A_66 = vector.extract %slice3A_65[0] : i32 from vector<1xi32>
      %slice3A_67 = vector.extract_strided_slice %mul3A_23 {offsets = [3], sizes = [1], strides = [1]} : vector<16xi32> to vector<1xi32>
      %squeeze3A_68 = vector.extract %slice3A_67[0] : i32 from vector<1xi32>
      %slice3A_69 = vector.extract_strided_slice %mul3A_23 {offsets = [4], sizes = [1], strides = [1]} : vector<16xi32> to vector<1xi32>
      %squeeze3A_70 = vector.extract %slice3A_69[0] : i32 from vector<1xi32>
      %slice3A_71 = vector.extract_strided_slice %mul3A_23 {offsets = [5], sizes = [1], strides = [1]} : vector<16xi32> to vector<1xi32>
      %squeeze3A_72 = vector.extract %slice3A_71[0] : i32 from vector<1xi32>
      %slice3A_73 = vector.extract_strided_slice %mul3A_23 {offsets = [6], sizes = [1], strides = [1]} : vector<16xi32> to vector<1xi32>
      %squeeze3A_74 = vector.extract %slice3A_73[0] : i32 from vector<1xi32>
      %slice3A_75 = vector.extract_strided_slice %mul3A_23 {offsets = [7], sizes = [1], strides = [1]} : vector<16xi32> to vector<1xi32>
      %squeeze3A_76 = vector.extract %slice3A_75[0] : i32 from vector<1xi32>
      %slice3A_77 = vector.extract_strided_slice %mul3A_23 {offsets = [8], sizes = [1], strides = [1]} : vector<16xi32> to vector<1xi32>
      %squeeze3A_78 = vector.extract %slice3A_77[0] : i32 from vector<1xi32>
      %slice3A_79 = vector.extract_strided_slice %mul3A_23 {offsets = [9], sizes = [1], strides = [1]} : vector<16xi32> to vector<1xi32>
      %squeeze3A_80 = vector.extract %slice3A_79[0] : i32 from vector<1xi32>
      %slice3A_81 = vector.extract_strided_slice %mul3A_23 {offsets = [10], sizes = [1], strides = [1]} : vector<16xi32> to vector<1xi32>
      %squeeze3A_82 = vector.extract %slice3A_81[0] : i32 from vector<1xi32>
      %slice3A_83 = vector.extract_strided_slice %mul3A_23 {offsets = [11], sizes = [1], strides = [1]} : vector<16xi32> to vector<1xi32>
      %squeeze3A_84 = vector.extract %slice3A_83[0] : i32 from vector<1xi32>
      %slice3A_85 = vector.extract_strided_slice %mul3A_23 {offsets = [12], sizes = [1], strides = [1]} : vector<16xi32> to vector<1xi32>
      %squeeze3A_86 = vector.extract %slice3A_85[0] : i32 from vector<1xi32>
      %slice3A_87 = vector.extract_strided_slice %mul3A_23 {offsets = [13], sizes = [1], strides = [1]} : vector<16xi32> to vector<1xi32>
      %squeeze3A_88 = vector.extract %slice3A_87[0] : i32 from vector<1xi32>
      %slice3A_89 = vector.extract_strided_slice %mul3A_23 {offsets = [14], sizes = [1], strides = [1]} : vector<16xi32> to vector<1xi32>
      %squeeze3A_90 = vector.extract %slice3A_89[0] : i32 from vector<1xi32>
      %slice3A_91 = vector.extract_strided_slice %mul3A_23 {offsets = [15], sizes = [1], strides = [1]} : vector<16xi32> to vector<1xi32>
      %squeeze3A_92 = vector.extract %slice3A_91[0] : i32 from vector<1xi32>
      %slice3A_93 = vector.extract_strided_slice %mul3A_30 {offsets = [8], sizes = [1], strides = [1]} : vector<16xi32> to vector<1xi32>
      %squeeze3A_94 = vector.extract %slice3A_93[0] : i32 from vector<1xi32>
      %slice3A_95 = vector.extract_strided_slice %mul3A_30 {offsets = [9], sizes = [1], strides = [1]} : vector<16xi32> to vector<1xi32>
      %squeeze3A_96 = vector.extract %slice3A_95[0] : i32 from vector<1xi32>
      %slice3A_97 = vector.extract_strided_slice %mul3A_30 {offsets = [10], sizes = [1], strides = [1]} : vector<16xi32> to vector<1xi32>
      %squeeze3A_98 = vector.extract %slice3A_97[0] : i32 from vector<1xi32>
      %slice3A_99 = vector.extract_strided_slice %mul3A_30 {offsets = [11], sizes = [1], strides = [1]} : vector<16xi32> to vector<1xi32>
      %squeeze3A_100 = vector.extract %slice3A_99[0] : i32 from vector<1xi32>
      %slice3A_101 = vector.extract_strided_slice %mul3A_30 {offsets = [12], sizes = [1], strides = [1]} : vector<16xi32> to vector<1xi32>
      %squeeze3A_102 = vector.extract %slice3A_101[0] : i32 from vector<1xi32>
      %slice3A_103 = vector.extract_strided_slice %mul3A_30 {offsets = [13], sizes = [1], strides = [1]} : vector<16xi32> to vector<1xi32>
      %squeeze3A_104 = vector.extract %slice3A_103[0] : i32 from vector<1xi32>
      %slice3A_105 = vector.extract_strided_slice %mul3A_30 {offsets = [14], sizes = [1], strides = [1]} : vector<16xi32> to vector<1xi32>
      %squeeze3A_106 = vector.extract %slice3A_105[0] : i32 from vector<1xi32>
      %slice3A_107 = vector.extract_strided_slice %mul3A_30 {offsets = [15], sizes = [1], strides = [1]} : vector<16xi32> to vector<1xi32>
      %squeeze3A_108 = vector.extract %slice3A_107[0] : i32 from vector<1xi32>
      %add3A_109 = arith.constant 0 : i32
      %add3A_110 = arith.addi %squeeze3A, %add3A_109 : i32
      %get3A_111 = arith.index_cast %add3A_110 : i32 to index
      %get3A_112 = tpu.vector_load %arg5[%get3A_111] {strides = array<i32>} : memref<64000xf32, #tpu.memory_space<vmem>>, vector<16xf32>,
      %add3A_113 = arith.constant 0 : i32
      %add3A_114 = arith.addi %squeeze3A_32, %add3A_113 : i32
      %get3A_115 = arith.index_cast %add3A_114 : i32 to index
      %get3A_116 = tpu.vector_load %arg5[%get3A_115] {strides = array<i32>} : memref<64000xf32, #tpu.memory_space<vmem>>, vector<16xf32>,
      %add3A_117 = arith.addf %get3A_112, %get3A_116 : vector<16xf32>
      %add3A_118 = arith.constant 0 : i32
      %add3A_119 = arith.addi %squeeze3A_34, %add3A_118 : i32
      %get3A_120 = arith.index_cast %add3A_119 : i32 to index
      %get3A_121 = tpu.vector_load %arg5[%get3A_120] {strides = array<i32>} : memref<64000xf32, #tpu.memory_space<vmem>>, vector<16xf32>,
      %add3A_122 = arith.addf %add3A_117, %get3A_121 : vector<16xf32>
      %add3A_123 = arith.constant 0 : i32
      %add3A_124 = arith.addi %squeeze3A_36, %add3A_123 : i32
      %get3A_125 = arith.index_cast %add3A_124 : i32 to index
      %get3A_126 = tpu.vector_load %arg5[%get3A_125] {strides = array<i32>} : memref<64000xf32, #tpu.memory_space<vmem>>, vector<16xf32>,
      %add3A_127 = arith.addf %add3A_122, %get3A_126 : vector<16xf32>
      %add3A_128 = arith.constant 0 : i32
      %add3A_129 = arith.addi %squeeze3A_38, %add3A_128 : i32
      %get3A_130 = arith.index_cast %add3A_129 : i32 to index
      %get3A_131 = tpu.vector_load %arg5[%get3A_130] {strides = array<i32>} : memref<64000xf32, #tpu.memory_space<vmem>>, vector<16xf32>,
      %add3A_132 = arith.addf %add3A_127, %get3A_131 : vector<16xf32>
      %add3A_133 = arith.constant 0 : i32
      %add3A_134 = arith.addi %squeeze3A_40, %add3A_133 : i32
      %get3A_135 = arith.index_cast %add3A_134 : i32 to index
      %get3A_136 = tpu.vector_load %arg5[%get3A_135] {strides = array<i32>} : memref<64000xf32, #tpu.memory_space<vmem>>, vector<16xf32>,
      %add3A_137 = arith.addf %add3A_132, %get3A_136 : vector<16xf32>
      %add3A_138 = arith.constant 0 : i32
      %add3A_139 = arith.addi %squeeze3A_42, %add3A_138 : i32
      %get3A_140 = arith.index_cast %add3A_139 : i32 to index
      %get3A_141 = tpu.vector_load %arg5[%get3A_140] {strides = array<i32>} : memref<64000xf32, #tpu.memory_space<vmem>>, vector<16xf32>,
      %add3A_142 = arith.addf %add3A_137, %get3A_141 : vector<16xf32>
      %add3A_143 = arith.constant 0 : i32
      %add3A_144 = arith.addi %squeeze3A_44, %add3A_143 : i32
      %get3A_145 = arith.index_cast %add3A_144 : i32 to index
      %get3A_146 = tpu.vector_load %arg5[%get3A_145] {strides = array<i32>} : memref<64000xf32, #tpu.memory_space<vmem>>, vector<16xf32>,
      %add3A_147 = arith.addf %add3A_142, %get3A_146 : vector<16xf32>
      %add3A_148 = arith.constant 0 : i32
      %add3A_149 = arith.addi %squeeze3A_46, %add3A_148 : i32
      %get3A_150 = arith.index_cast %add3A_149 : i32 to index
      %get3A_151 = tpu.vector_load %arg5[%get3A_150] {strides = array<i32>} : memref<64000xf32, #tpu.memory_space<vmem>>, vector<16xf32>,
      %add3A_152 = arith.addf %add3A_147, %get3A_151 : vector<16xf32>
      %add3A_153 = arith.constant 0 : i32
      %add3A_154 = arith.addi %squeeze3A_48, %add3A_153 : i32
      %get3A_155 = arith.index_cast %add3A_154 : i32 to index
      %get3A_156 = tpu.vector_load %arg5[%get3A_155] {strides = array<i32>} : memref<64000xf32, #tpu.memory_space<vmem>>, vector<16xf32>,
      %add3A_157 = arith.addf %add3A_152, %get3A_156 : vector<16xf32>
      %add3A_158 = arith.constant 0 : i32
      %add3A_159 = arith.addi %squeeze3A_50, %add3A_158 : i32
      %get3A_160 = arith.index_cast %add3A_159 : i32 to index
      %get3A_161 = tpu.vector_load %arg5[%get3A_160] {strides = array<i32>} : memref<64000xf32, #tpu.memory_space<vmem>>, vector<16xf32>,
      %add3A_162 = arith.addf %add3A_157, %get3A_161 : vector<16xf32>
      %add3A_163 = arith.constant 0 : i32
      %add3A_164 = arith.addi %squeeze3A_52, %add3A_163 : i32
      %get3A_165 = arith.index_cast %add3A_164 : i32 to index
      %get3A_166 = tpu.vector_load %arg5[%get3A_165] {strides = array<i32>} : memref<64000xf32, #tpu.memory_space<vmem>>, vector<16xf32>,
      %add3A_167 = arith.addf %add3A_162, %get3A_166 : vector<16xf32>
      %add3A_168 = arith.constant 0 : i32
      %add3A_169 = arith.addi %squeeze3A_54, %add3A_168 : i32
      %get3A_170 = arith.index_cast %add3A_169 : i32 to index
      %get3A_171 = tpu.vector_load %arg5[%get3A_170] {strides = array<i32>} : memref<64000xf32, #tpu.memory_space<vmem>>, vector<16xf32>,
      %add3A_172 = arith.addf %add3A_167, %get3A_171 : vector<16xf32>
      %add3A_173 = arith.constant 0 : i32
      %add3A_174 = arith.addi %squeeze3A_56, %add3A_173 : i32
      %get3A_175 = arith.index_cast %add3A_174 : i32 to index
      %get3A_176 = tpu.vector_load %arg5[%get3A_175] {strides = array<i32>} : memref<64000xf32, #tpu.memory_space<vmem>>, vector<16xf32>,
      %add3A_177 = arith.addf %add3A_172, %get3A_176 : vector<16xf32>
      %add3A_178 = arith.constant 0 : i32
      %add3A_179 = arith.addi %squeeze3A_58, %add3A_178 : i32
      %get3A_180 = arith.index_cast %add3A_179 : i32 to index
      %get3A_181 = tpu.vector_load %arg5[%get3A_180] {strides = array<i32>} : memref<64000xf32, #tpu.memory_space<vmem>>, vector<16xf32>,
      %add3A_182 = arith.addf %add3A_177, %get3A_181 : vector<16xf32>
      %add3A_183 = arith.constant 0 : i32
      %add3A_184 = arith.addi %squeeze3A_60, %add3A_183 : i32
      %get3A_185 = arith.index_cast %add3A_184 : i32 to index
      %get3A_186 = tpu.vector_load %arg5[%get3A_185] {strides = array<i32>} : memref<64000xf32, #tpu.memory_space<vmem>>, vector<16xf32>,
      %add3A_187 = arith.addf %add3A_182, %get3A_186 : vector<16xf32>
      %add3A_188 = arith.constant 0 : i32
      %add3A_189 = arith.addi %squeeze3A_62, %add3A_188 : i32
      %get3A_190 = arith.index_cast %add3A_189 : i32 to index
      %get3A_191 = tpu.vector_load %arg5[%get3A_190] {strides = array<i32>} : memref<64000xf32, #tpu.memory_space<vmem>>, vector<16xf32>,
      %add3A_192 = arith.addf %add3A_187, %get3A_191 : vector<16xf32>
      %add3A_193 = arith.constant 0 : i32
      %add3A_194 = arith.addi %squeeze3A_64, %add3A_193 : i32
      %get3A_195 = arith.index_cast %add3A_194 : i32 to index
      %get3A_196 = tpu.vector_load %arg5[%get3A_195] {strides = array<i32>} : memref<64000xf32, #tpu.memory_space<vmem>>, vector<16xf32>,
      %add3A_197 = arith.addf %add3A_192, %get3A_196 : vector<16xf32>
      %add3A_198 = arith.constant 0 : i32
      %add3A_199 = arith.addi %squeeze3A_66, %add3A_198 : i32
      %get3A_200 = arith.index_cast %add3A_199 : i32 to index
      %get3A_201 = tpu.vector_load %arg5[%get3A_200] {strides = array<i32>} : memref<64000xf32, #tpu.memory_space<vmem>>, vector<16xf32>,
      %add3A_202 = arith.addf %add3A_197, %get3A_201 : vector<16xf32>
      %add3A_203 = arith.constant 0 : i32
      %add3A_204 = arith.addi %squeeze3A_68, %add3A_203 : i32
      %get3A_205 = arith.index_cast %add3A_204 : i32 to index
      %get3A_206 = tpu.vector_load %arg5[%get3A_205] {strides = array<i32>} : memref<64000xf32, #tpu.memory_space<vmem>>, vector<16xf32>,
      %add3A_207 = arith.addf %add3A_202, %get3A_206 : vector<16xf32>
      %mul3A_208 = arith.constant 2 : i32
      %mul3A_209 = arith.muli %mul3A_208, %scan3A_10 : i32
      %add3A_210 = arith.constant 0 : i32
      %add3A_211 = arith.addi %mul3A_209, %add3A_210 : i32
      %swap3A = arith.index_cast %add3A_211 : i32 to index
      %swap3A_212 = arith.constant 0 : index
      %swap3A_213 = tpu.vector_load %arg7[%swap3A, %swap3A_212] {strides = array<i32>} : memref<128x64xf32, #tpu.memory_space<vmem>>, vector<16xf32>,
      tpu.vector_store %arg7[%swap3A, %swap3A_212], %add3A_207 {strides = array<i32>} : memref<128x64xf32, #tpu.memory_space<vmem>>, vector<16xf32>,
      %add3A_214 = arith.constant 16 : i32
      %add3A_215 = arith.addi %squeeze3A, %add3A_214 : i32
      %get3A_216 = arith.index_cast %add3A_215 : i32 to index
      %get3A_217 = tpu.vector_load %arg5[%get3A_216] {strides = array<i32>} : memref<64000xf32, #tpu.memory_space<vmem>>, vector<16xf32>,
      %add3A_218 = arith.constant 16 : i32
      %add3A_219 = arith.addi %squeeze3A_32, %add3A_218 : i32
      %get3A_220 = arith.index_cast %add3A_219 : i32 to index
      %get3A_221 = tpu.vector_load %arg5[%get3A_220] {strides = array<i32>} : memref<64000xf32, #tpu.memory_space<vmem>>, vector<16xf32>,
      %add3A_222 = arith.addf %get3A_217, %get3A_221 : vector<16xf32>
      %add3A_223 = arith.constant 16 : i32
      %add3A_224 = arith.addi %squeeze3A_34, %add3A_223 : i32
      %get3A_225 = arith.index_cast %add3A_224 : i32 to index
      %get3A_226 = tpu.vector_load %arg5[%get3A_225] {strides = array<i32>} : memref<64000xf32, #tpu.memory_space<vmem>>, vector<16xf32>,
      %add3A_227 = arith.addf %add3A_222, %get3A_226 : vector<16xf32>
      %add3A_228 = arith.constant 16 : i32
      %add3A_229 = arith.addi %squeeze3A_36, %add3A_228 : i32
      %get3A_230 = arith.index_cast %add3A_229 : i32 to index
      %get3A_231 = tpu.vector_load %arg5[%get3A_230] {strides = array<i32>} : memref<64000xf32, #tpu.memory_space<vmem>>, vector<16xf32>,
      %add3A_232 = arith.addf %add3A_227, %get3A_231 : vector<16xf32>
      %add3A_233 = arith.constant 16 : i32
      %add3A_234 = arith.addi %squeeze3A_38, %add3A_233 : i32
      %get3A_235 = arith.index_cast %add3A_234 : i32 to index
      %get3A_236 = tpu.vector_load %arg5[%get3A_235] {strides = array<i32>} : memref<64000xf32, #tpu.memory_space<vmem>>, vector<16xf32>,
      %add3A_237 = arith.addf %add3A_232, %get3A_236 : vector<16xf32>
      %add3A_238 = arith.constant 16 : i32
      %add3A_239 = arith.addi %squeeze3A_40, %add3A_238 : i32
      %get3A_240 = arith.index_cast %add3A_239 : i32 to index
      %get3A_241 = tpu.vector_load %arg5[%get3A_240] {strides = array<i32>} : memref<64000xf32, #tpu.memory_space<vmem>>, vector<16xf32>,
      %add3A_242 = arith.addf %add3A_237, %get3A_241 : vector<16xf32>
      %add3A_243 = arith.constant 16 : i32
      %add3A_244 = arith.addi %squeeze3A_42, %add3A_243 : i32
      %get3A_245 = arith.index_cast %add3A_244 : i32 to index
      %get3A_246 = tpu.vector_load %arg5[%get3A_245] {strides = array<i32>} : memref<64000xf32, #tpu.memory_space<vmem>>, vector<16xf32>,
      %add3A_247 = arith.addf %add3A_242, %get3A_246 : vector<16xf32>
      %add3A_248 = arith.constant 16 : i32
      %add3A_249 = arith.addi %squeeze3A_44, %add3A_248 : i32
      %get3A_250 = arith.index_cast %add3A_249 : i32 to index
      %get3A_251 = tpu.vector_load %arg5[%get3A_250] {strides = array<i32>} : memref<64000xf32, #tpu.memory_space<vmem>>, vector<16xf32>,
      %add3A_252 = arith.addf %add3A_247, %get3A_251 : vector<16xf32>
      %add3A_253 = arith.constant 16 : i32
      %add3A_254 = arith.addi %squeeze3A_46, %add3A_253 : i32
      %get3A_255 = arith.index_cast %add3A_254 : i32 to index
      %get3A_256 = tpu.vector_load %arg5[%get3A_255] {strides = array<i32>} : memref<64000xf32, #tpu.memory_space<vmem>>, vector<16xf32>,
      %add3A_257 = arith.addf %add3A_252, %get3A_256 : vector<16xf32>
      %add3A_258 = arith.constant 16 : i32
      %add3A_259 = arith.addi %squeeze3A_48, %add3A_258 : i32
      %get3A_260 = arith.index_cast %add3A_259 : i32 to index
      %get3A_261 = tpu.vector_load %arg5[%get3A_260] {strides = array<i32>} : memref<64000xf32, #tpu.memory_space<vmem>>, vector<16xf32>,
      %add3A_262 = arith.addf %add3A_257, %get3A_261 : vector<16xf32>
      %add3A_263 = arith.constant 16 : i32
      %add3A_264 = arith.addi %squeeze3A_50, %add3A_263 : i32
      %get3A_265 = arith.index_cast %add3A_264 : i32 to index
      %get3A_266 = tpu.vector_load %arg5[%get3A_265] {strides = array<i32>} : memref<64000xf32, #tpu.memory_space<vmem>>, vector<16xf32>,
      %add3A_267 = arith.addf %add3A_262, %get3A_266 : vector<16xf32>
      %add3A_268 = arith.constant 16 : i32
      %add3A_269 = arith.addi %squeeze3A_52, %add3A_268 : i32
      %get3A_270 = arith.index_cast %add3A_269 : i32 to index
      %get3A_271 = tpu.vector_load %arg5[%get3A_270] {strides = array<i32>} : memref<64000xf32, #tpu.memory_space<vmem>>, vector<16xf32>,
      %add3A_272 = arith.addf %add3A_267, %get3A_271 : vector<16xf32>
      %add3A_273 = arith.constant 16 : i32
      %add3A_274 = arith.addi %squeeze3A_54, %add3A_273 : i32
      %get3A_275 = arith.index_cast %add3A_274 : i32 to index
      %get3A_276 = tpu.vector_load %arg5[%get3A_275] {strides = array<i32>} : memref<64000xf32, #tpu.memory_space<vmem>>, vector<16xf32>,
      %add3A_277 = arith.addf %add3A_272, %get3A_276 : vector<16xf32>
      %add3A_278 = arith.constant 16 : i32
      %add3A_279 = arith.addi %squeeze3A_56, %add3A_278 : i32
      %get3A_280 = arith.index_cast %add3A_279 : i32 to index
      %get3A_281 = tpu.vector_load %arg5[%get3A_280] {strides = array<i32>} : memref<64000xf32, #tpu.memory_space<vmem>>, vector<16xf32>,
      %add3A_282 = arith.addf %add3A_277, %get3A_281 : vector<16xf32>
      %add3A_283 = arith.constant 16 : i32
      %add3A_284 = arith.addi %squeeze3A_58, %add3A_283 : i32
      %get3A_285 = arith.index_cast %add3A_284 : i32 to index
      %get3A_286 = tpu.vector_load %arg5[%get3A_285] {strides = array<i32>} : memref<64000xf32, #tpu.memory_space<vmem>>, vector<16xf32>,
      %add3A_287 = arith.addf %add3A_282, %get3A_286 : vector<16xf32>
      %add3A_288 = arith.constant 16 : i32
      %add3A_289 = arith.addi %squeeze3A_60, %add3A_288 : i32
      %get3A_290 = arith.index_cast %add3A_289 : i32 to index
      %get3A_291 = tpu.vector_load %arg5[%get3A_290] {strides = array<i32>} : memref<64000xf32, #tpu.memory_space<vmem>>, vector<16xf32>,
      %add3A_292 = arith.addf %add3A_287, %get3A_291 : vector<16xf32>
      %add3A_293 = arith.constant 16 : i32
      %add3A_294 = arith.addi %squeeze3A_62, %add3A_293 : i32
      %get3A_295 = arith.index_cast %add3A_294 : i32 to index
      %get3A_296 = tpu.vector_load %arg5[%get3A_295] {strides = array<i32>} : memref<64000xf32, #tpu.memory_space<vmem>>, vector<16xf32>,
      %add3A_297 = arith.addf %add3A_292, %get3A_296 : vector<16xf32>
      %add3A_298 = arith.constant 16 : i32
      %add3A_299 = arith.addi %squeeze3A_64, %add3A_298 : i32
      %get3A_300 = arith.index_cast %add3A_299 : i32 to index
      %get3A_301 = tpu.vector_load %arg5[%get3A_300] {strides = array<i32>} : memref<64000xf32, #tpu.memory_space<vmem>>, vector<16xf32>,
      %add3A_302 = arith.addf %add3A_297, %get3A_301 : vector<16xf32>
      %add3A_303 = arith.constant 16 : i32
      %add3A_304 = arith.addi %squeeze3A_66, %add3A_303 : i32
      %get3A_305 = arith.index_cast %add3A_304 : i32 to index
      %get3A_306 = tpu.vector_load %arg5[%get3A_305] {strides = array<i32>} : memref<64000xf32, #tpu.memory_space<vmem>>, vector<16xf32>,
      %add3A_307 = arith.addf %add3A_302, %get3A_306 : vector<16xf32>
      %add3A_308 = arith.constant 16 : i32
      %add3A_309 = arith.addi %squeeze3A_68, %add3A_308 : i32
      %get3A_310 = arith.index_cast %add3A_309 : i32 to index
      %get3A_311 = tpu.vector_load %arg5[%get3A_310] {strides = array<i32>} : memref<64000xf32, #tpu.memory_space<vmem>>, vector<16xf32>,
      %add3A_312 = arith.addf %add3A_307, %get3A_311 : vector<16xf32>
      %mul3A_313 = arith.constant 2 : i32
      %mul3A_314 = arith.muli %mul3A_313, %scan3A_10 : i32
      %add3A_315 = arith.constant 0 : i32
      %add3A_316 = arith.addi %mul3A_314, %add3A_315 : i32
      %swap3A_317 = arith.index_cast %add3A_316 : i32 to index
      %swap3A_318 = arith.constant 16 : index
      %swap3A_319 = tpu.vector_load %arg7[%swap3A_317, %swap3A_318] {strides = array<i32>} : memref<128x64xf32, #tpu.memory_space<vmem>>, vector<16xf32>,
      tpu.vector_store %arg7[%swap3A_317, %swap3A_318], %add3A_312 {strides = array<i32>} : memref<128x64xf32, #tpu.memory_space<vmem>>, vector<16xf32>,
      %add3A_320 = arith.constant 32 : i32
      %add3A_321 = arith.addi %squeeze3A, %add3A_320 : i32
      %get3A_322 = arith.index_cast %add3A_321 : i32 to index
      %get3A_323 = tpu.vector_load %arg5[%get3A_322] {strides = array<i32>} : memref<64000xf32, #tpu.memory_space<vmem>>, vector<16xf32>,
      %add3A_324 = arith.constant 32 : i32
      %add3A_325 = arith.addi %squeeze3A_32, %add3A_324 : i32
      %get3A_326 = arith.index_cast %add3A_325 : i32 to index
      %get3A_327 = tpu.vector_load %arg5[%get3A_326] {strides = array<i32>} : memref<64000xf32, #tpu.memory_space<vmem>>, vector<16xf32>,
      %add3A_328 = arith.addf %get3A_323, %get3A_327 : vector<16xf32>
      %add3A_329 = arith.constant 32 : i32
      %add3A_330 = arith.addi %squeeze3A_34, %add3A_329 : i32
      %get3A_331 = arith.index_cast %add3A_330 : i32 to index
      %get3A_332 = tpu.vector_load %arg5[%get3A_331] {strides = array<i32>} : memref<64000xf32, #tpu.memory_space<vmem>>, vector<16xf32>,
      %add3A_333 = arith.addf %add3A_328, %get3A_332 : vector<16xf32>
      %add3A_334 = arith.constant 32 : i32
      %add3A_335 = arith.addi %squeeze3A_36, %add3A_334 : i32
      %get3A_336 = arith.index_cast %add3A_335 : i32 to index
      %get3A_337 = tpu.vector_load %arg5[%get3A_336] {strides = array<i32>} : memref<64000xf32, #tpu.memory_space<vmem>>, vector<16xf32>,
      %add3A_338 = arith.addf %add3A_333, %get3A_337 : vector<16xf32>
      %add3A_339 = arith.constant 32 : i32
      %add3A_340 = arith.addi %squeeze3A_38, %add3A_339 : i32
      %get3A_341 = arith.index_cast %add3A_340 : i32 to index
      %get3A_342 = tpu.vector_load %arg5[%get3A_341] {strides = array<i32>} : memref<64000xf32, #tpu.memory_space<vmem>>, vector<16xf32>,
      %add3A_343 = arith.addf %add3A_338, %get3A_342 : vector<16xf32>
      %add3A_344 = arith.constant 32 : i32
      %add3A_345 = arith.addi %squeeze3A_40, %add3A_344 : i32
      %get3A_346 = arith.index_cast %add3A_345 : i32 to index
      %get3A_347 = tpu.vector_load %arg5[%get3A_346] {strides = array<i32>} : memref<64000xf32, #tpu.memory_space<vmem>>, vector<16xf32>,
      %add3A_348 = arith.addf %add3A_343, %get3A_347 : vector<16xf32>
      %add3A_349 = arith.constant 32 : i32
      %add3A_350 = arith.addi %squeeze3A_42, %add3A_349 : i32
      %get3A_351 = arith.index_cast %add3A_350 : i32 to index
      %get3A_352 = tpu.vector_load %arg5[%get3A_351] {strides = array<i32>} : memref<64000xf32, #tpu.memory_space<vmem>>, vector<16xf32>,
      %add3A_353 = arith.addf %add3A_348, %get3A_352 : vector<16xf32>
      %add3A_354 = arith.constant 32 : i32
      %add3A_355 = arith.addi %squeeze3A_44, %add3A_354 : i32
      %get3A_356 = arith.index_cast %add3A_355 : i32 to index
      %get3A_357 = tpu.vector_load %arg5[%get3A_356] {strides = array<i32>} : memref<64000xf32, #tpu.memory_space<vmem>>, vector<16xf32>,
      %add3A_358 = arith.addf %add3A_353, %get3A_357 : vector<16xf32>
      %add3A_359 = arith.constant 32 : i32
      %add3A_360 = arith.addi %squeeze3A_46, %add3A_359 : i32
      %get3A_361 = arith.index_cast %add3A_360 : i32 to index
      %get3A_362 = tpu.vector_load %arg5[%get3A_361] {strides = array<i32>} : memref<64000xf32, #tpu.memory_space<vmem>>, vector<16xf32>,
      %add3A_363 = arith.addf %add3A_358, %get3A_362 : vector<16xf32>
      %add3A_364 = arith.constant 32 : i32
      %add3A_365 = arith.addi %squeeze3A_48, %add3A_364 : i32
      %get3A_366 = arith.index_cast %add3A_365 : i32 to index
      %get3A_367 = tpu.vector_load %arg5[%get3A_366] {strides = array<i32>} : memref<64000xf32, #tpu.memory_space<vmem>>, vector<16xf32>,
      %add3A_368 = arith.addf %add3A_363, %get3A_367 : vector<16xf32>
      %add3A_369 = arith.constant 32 : i32
      %add3A_370 = arith.addi %squeeze3A_50, %add3A_369 : i32
      %get3A_371 = arith.index_cast %add3A_370 : i32 to index
      %get3A_372 = tpu.vector_load %arg5[%get3A_371] {strides = array<i32>} : memref<64000xf32, #tpu.memory_space<vmem>>, vector<16xf32>,
      %add3A_373 = arith.addf %add3A_368, %get3A_372 : vector<16xf32>
      %add3A_374 = arith.constant 32 : i32
      %add3A_375 = arith.addi %squeeze3A_52, %add3A_374 : i32
      %get3A_376 = arith.index_cast %add3A_375 : i32 to index
      %get3A_377 = tpu.vector_load %arg5[%get3A_376] {strides = array<i32>} : memref<64000xf32, #tpu.memory_space<vmem>>, vector<16xf32>,
      %add3A_378 = arith.addf %add3A_373, %get3A_377 : vector<16xf32>
      %add3A_379 = arith.constant 32 : i32
      %add3A_380 = arith.addi %squeeze3A_54, %add3A_379 : i32
      %get3A_381 = arith.index_cast %add3A_380 : i32 to index
      %get3A_382 = tpu.vector_load %arg5[%get3A_381] {strides = array<i32>} : memref<64000xf32, #tpu.memory_space<vmem>>, vector<16xf32>,
      %add3A_383 = arith.addf %add3A_378, %get3A_382 : vector<16xf32>
      %add3A_384 = arith.constant 32 : i32
      %add3A_385 = arith.addi %squeeze3A_56, %add3A_384 : i32
      %get3A_386 = arith.index_cast %add3A_385 : i32 to index
      %get3A_387 = tpu.vector_load %arg5[%get3A_386] {strides = array<i32>} : memref<64000xf32, #tpu.memory_space<vmem>>, vector<16xf32>,
      %add3A_388 = arith.addf %add3A_383, %get3A_387 : vector<16xf32>
      %add3A_389 = arith.constant 32 : i32
      %add3A_390 = arith.addi %squeeze3A_58, %add3A_389 : i32
      %get3A_391 = arith.index_cast %add3A_390 : i32 to index
      %get3A_392 = tpu.vector_load %arg5[%get3A_391] {strides = array<i32>} : memref<64000xf32, #tpu.memory_space<vmem>>, vector<16xf32>,
      %add3A_393 = arith.addf %add3A_388, %get3A_392 : vector<16xf32>
      %add3A_394 = arith.constant 32 : i32
      %add3A_395 = arith.addi %squeeze3A_60, %add3A_394 : i32
      %get3A_396 = arith.index_cast %add3A_395 : i32 to index
      %get3A_397 = tpu.vector_load %arg5[%get3A_396] {strides = array<i32>} : memref<64000xf32, #tpu.memory_space<vmem>>, vector<16xf32>,
      %add3A_398 = arith.addf %add3A_393, %get3A_397 : vector<16xf32>
      %add3A_399 = arith.constant 32 : i32
      %add3A_400 = arith.addi %squeeze3A_62, %add3A_399 : i32
      %get3A_401 = arith.index_cast %add3A_400 : i32 to index
      %get3A_402 = tpu.vector_load %arg5[%get3A_401] {strides = array<i32>} : memref<64000xf32, #tpu.memory_space<vmem>>, vector<16xf32>,
      %add3A_403 = arith.addf %add3A_398, %get3A_402 : vector<16xf32>
      %add3A_404 = arith.constant 32 : i32
      %add3A_405 = arith.addi %squeeze3A_64, %add3A_404 : i32
      %get3A_406 = arith.index_cast %add3A_405 : i32 to index
      %get3A_407 = tpu.vector_load %arg5[%get3A_406] {strides = array<i32>} : memref<64000xf32, #tpu.memory_space<vmem>>, vector<16xf32>,
      %add3A_408 = arith.addf %add3A_403, %get3A_407 : vector<16xf32>
      %add3A_409 = arith.constant 32 : i32
      %add3A_410 = arith.addi %squeeze3A_66, %add3A_409 : i32
      %get3A_411 = arith.index_cast %add3A_410 : i32 to index
      %get3A_412 = tpu.vector_load %arg5[%get3A_411] {strides = array<i32>} : memref<64000xf32, #tpu.memory_space<vmem>>, vector<16xf32>,
      %add3A_413 = arith.addf %add3A_408, %get3A_412 : vector<16xf32>
      %add3A_414 = arith.constant 32 : i32
      %add3A_415 = arith.addi %squeeze3A_68, %add3A_414 : i32
      %get3A_416 = arith.index_cast %add3A_415 : i32 to index
      %get3A_417 = tpu.vector_load %arg5[%get3A_416] {strides = array<i32>} : memref<64000xf32, #tpu.memory_space<vmem>>, vector<16xf32>,
      %add3A_418 = arith.addf %add3A_413, %get3A_417 : vector<16xf32>
      %mul3A_419 = arith.constant 2 : i32
      %mul3A_420 = arith.muli %mul3A_419, %scan3A_10 : i32
      %add3A_421 = arith.constant 0 : i32
      %add3A_422 = arith.addi %mul3A_420, %add3A_421 : i32
      %swap3A_423 = arith.index_cast %add3A_422 : i32 to index
      %swap3A_424 = arith.constant 32 : index
      %swap3A_425 = tpu.vector_load %arg7[%swap3A_423, %swap3A_424] {strides = array<i32>} : memref<128x64xf32, #tpu.memory_space<vmem>>, vector<16xf32>,
      tpu.vector_store %arg7[%swap3A_423, %swap3A_424], %add3A_418 {strides = array<i32>} : memref<128x64xf32, #tpu.memory_space<vmem>>, vector<16xf32>,
      %add3A_426 = arith.constant 48 : i32
      %add3A_427 = arith.addi %squeeze3A, %add3A_426 : i32
      %get3A_428 = arith.index_cast %add3A_427 : i32 to index
      %get3A_429 = tpu.vector_load %arg5[%get3A_428] {strides = array<i32>} : memref<64000xf32, #tpu.memory_space<vmem>>, vector<16xf32>,
      %add3A_430 = arith.constant 48 : i32
      %add3A_431 = arith.addi %squeeze3A_32, %add3A_430 : i32
      %get3A_432 = arith.index_cast %add3A_431 : i32 to index
      %get3A_433 = tpu.vector_load %arg5[%get3A_432] {strides = array<i32>} : memref<64000xf32, #tpu.memory_space<vmem>>, vector<16xf32>,
      %add3A_434 = arith.addf %get3A_429, %get3A_433 : vector<16xf32>
      %add3A_435 = arith.constant 48 : i32
      %add3A_436 = arith.addi %squeeze3A_34, %add3A_435 : i32
      %get3A_437 = arith.index_cast %add3A_436 : i32 to index
      %get3A_438 = tpu.vector_load %arg5[%get3A_437] {strides = array<i32>} : memref<64000xf32, #tpu.memory_space<vmem>>, vector<16xf32>,
      %add3A_439 = arith.addf %add3A_434, %get3A_438 : vector<16xf32>
      %add3A_440 = arith.constant 48 : i32
      %add3A_441 = arith.addi %squeeze3A_36, %add3A_440 : i32
      %get3A_442 = arith.index_cast %add3A_441 : i32 to index
      %get3A_443 = tpu.vector_load %arg5[%get3A_442] {strides = array<i32>} : memref<64000xf32, #tpu.memory_space<vmem>>, vector<16xf32>,
      %add3A_444 = arith.addf %add3A_439, %get3A_443 : vector<16xf32>
      %add3A_445 = arith.constant 48 : i32
      %add3A_446 = arith.addi %squeeze3A_38, %add3A_445 : i32
      %get3A_447 = arith.index_cast %add3A_446 : i32 to index
      %get3A_448 = tpu.vector_load %arg5[%get3A_447] {strides = array<i32>} : memref<64000xf32, #tpu.memory_space<vmem>>, vector<16xf32>,
      %add3A_449 = arith.addf %add3A_444, %get3A_448 : vector<16xf32>
      %add3A_450 = arith.constant 48 : i32
      %add3A_451 = arith.addi %squeeze3A_40, %add3A_450 : i32
      %get3A_452 = arith.index_cast %add3A_451 : i32 to index
      %get3A_453 = tpu.vector_load %arg5[%get3A_452] {strides = array<i32>} : memref<64000xf32, #tpu.memory_space<vmem>>, vector<16xf32>,
      %add3A_454 = arith.addf %add3A_449, %get3A_453 : vector<16xf32>
      %add3A_455 = arith.constant 48 : i32
      %add3A_456 = arith.addi %squeeze3A_42, %add3A_455 : i32
      %get3A_457 = arith.index_cast %add3A_456 : i32 to index
      %get3A_458 = tpu.vector_load %arg5[%get3A_457] {strides = array<i32>} : memref<64000xf32, #tpu.memory_space<vmem>>, vector<16xf32>,
      %add3A_459 = arith.addf %add3A_454, %get3A_458 : vector<16xf32>
      %add3A_460 = arith.constant 48 : i32
      %add3A_461 = arith.addi %squeeze3A_44, %add3A_460 : i32
      %get3A_462 = arith.index_cast %add3A_461 : i32 to index
      %get3A_463 = tpu.vector_load %arg5[%get3A_462] {strides = array<i32>} : memref<64000xf32, #tpu.memory_space<vmem>>, vector<16xf32>,
      %add3A_464 = arith.addf %add3A_459, %get3A_463 : vector<16xf32>
      %add3A_465 = arith.constant 48 : i32
      %add3A_466 = arith.addi %squeeze3A_46, %add3A_465 : i32
      %get3A_467 = arith.index_cast %add3A_466 : i32 to index
      %get3A_468 = tpu.vector_load %arg5[%get3A_467] {strides = array<i32>} : memref<64000xf32, #tpu.memory_space<vmem>>, vector<16xf32>,
      %add3A_469 = arith.addf %add3A_464, %get3A_468 : vector<16xf32>
      %add3A_470 = arith.constant 48 : i32
      %add3A_471 = arith.addi %squeeze3A_48, %add3A_470 : i32
      %get3A_472 = arith.index_cast %add3A_471 : i32 to index
      %get3A_473 = tpu.vector_load %arg5[%get3A_472] {strides = array<i32>} : memref<64000xf32, #tpu.memory_space<vmem>>, vector<16xf32>,
      %add3A_474 = arith.addf %add3A_469, %get3A_473 : vector<16xf32>
      %add3A_475 = arith.constant 48 : i32
      %add3A_476 = arith.addi %squeeze3A_50, %add3A_475 : i32
      %get3A_477 = arith.index_cast %add3A_476 : i32 to index
      %get3A_478 = tpu.vector_load %arg5[%get3A_477] {strides = array<i32>} : memref<64000xf32, #tpu.memory_space<vmem>>, vector<16xf32>,
      %add3A_479 = arith.addf %add3A_474, %get3A_478 : vector<16xf32>
      %add3A_480 = arith.constant 48 : i32
      %add3A_481 = arith.addi %squeeze3A_52, %add3A_480 : i32
      %get3A_482 = arith.index_cast %add3A_481 : i32 to index
      %get3A_483 = tpu.vector_load %arg5[%get3A_482] {strides = array<i32>} : memref<64000xf32, #tpu.memory_space<vmem>>, vector<16xf32>,
      %add3A_484 = arith.addf %add3A_479, %get3A_483 : vector<16xf32>
      %add3A_485 = arith.constant 48 : i32
      %add3A_486 = arith.addi %squeeze3A_54, %add3A_485 : i32
      %get3A_487 = arith.index_cast %add3A_486 : i32 to index
      %get3A_488 = tpu.vector_load %arg5[%get3A_487] {strides = array<i32>} : memref<64000xf32, #tpu.memory_space<vmem>>, vector<16xf32>,
      %add3A_489 = arith.addf %add3A_484, %get3A_488 : vector<16xf32>
      %add3A_490 = arith.constant 48 : i32
      %add3A_491 = arith.addi %squeeze3A_56, %add3A_490 : i32
      %get3A_492 = arith.index_cast %add3A_491 : i32 to index
      %get3A_493 = tpu.vector_load %arg5[%get3A_492] {strides = array<i32>} : memref<64000xf32, #tpu.memory_space<vmem>>, vector<16xf32>,
      %add3A_494 = arith.addf %add3A_489, %get3A_493 : vector<16xf32>
      %add3A_495 = arith.constant 48 : i32
      %add3A_496 = arith.addi %squeeze3A_58, %add3A_495 : i32
      %get3A_497 = arith.index_cast %add3A_496 : i32 to index
      %get3A_498 = tpu.vector_load %arg5[%get3A_497] {strides = array<i32>} : memref<64000xf32, #tpu.memory_space<vmem>>, vector<16xf32>,
      %add3A_499 = arith.addf %add3A_494, %get3A_498 : vector<16xf32>
      %add3A_500 = arith.constant 48 : i32
      %add3A_501 = arith.addi %squeeze3A_60, %add3A_500 : i32
      %get3A_502 = arith.index_cast %add3A_501 : i32 to index
      %get3A_503 = tpu.vector_load %arg5[%get3A_502] {strides = array<i32>} : memref<64000xf32, #tpu.memory_space<vmem>>, vector<16xf32>,
      %add3A_504 = arith.addf %add3A_499, %get3A_503 : vector<16xf32>
      %add3A_505 = arith.constant 48 : i32
      %add3A_506 = arith.addi %squeeze3A_62, %add3A_505 : i32
      %get3A_507 = arith.index_cast %add3A_506 : i32 to index
      %get3A_508 = tpu.vector_load %arg5[%get3A_507] {strides = array<i32>} : memref<64000xf32, #tpu.memory_space<vmem>>, vector<16xf32>,
      %add3A_509 = arith.addf %add3A_504, %get3A_508 : vector<16xf32>
      %add3A_510 = arith.constant 48 : i32
      %add3A_511 = arith.addi %squeeze3A_64, %add3A_510 : i32
      %get3A_512 = arith.index_cast %add3A_511 : i32 to index
      %get3A_513 = tpu.vector_load %arg5[%get3A_512] {strides = array<i32>} : memref<64000xf32, #tpu.memory_space<vmem>>, vector<16xf32>,
      %add3A_514 = arith.addf %add3A_509, %get3A_513 : vector<16xf32>
      %add3A_515 = arith.constant 48 : i32
      %add3A_516 = arith.addi %squeeze3A_66, %add3A_515 : i32
      %get3A_517 = arith.index_cast %add3A_516 : i32 to index
      %get3A_518 = tpu.vector_load %arg5[%get3A_517] {strides = array<i32>} : memref<64000xf32, #tpu.memory_space<vmem>>, vector<16xf32>,
      %add3A_519 = arith.addf %add3A_514, %get3A_518 : vector<16xf32>
      %add3A_520 = arith.constant 48 : i32
      %add3A_521 = arith.addi %squeeze3A_68, %add3A_520 : i32
      %get3A_522 = arith.index_cast %add3A_521 : i32 to index
      %get3A_523 = tpu.vector_load %arg5[%get3A_522] {strides = array<i32>} : memref<64000xf32, #tpu.memory_space<vmem>>, vector<16xf32>,
      %add3A_524 = arith.addf %add3A_519, %get3A_523 : vector<16xf32>
      %mul3A_525 = arith.constant 2 : i32
      %mul3A_526 = arith.muli %mul3A_525, %scan3A_10 : i32
      %add3A_527 = arith.constant 0 : i32
      %add3A_528 = arith.addi %mul3A_526, %add3A_527 : i32
      %swap3A_529 = arith.index_cast %add3A_528 : i32 to index
      %swap3A_530 = arith.constant 48 : index
      %swap3A_531 = tpu.vector_load %arg7[%swap3A_529, %swap3A_530] {strides = array<i32>} : memref<128x64xf32, #tpu.memory_space<vmem>>, vector<16xf32>,
      tpu.vector_store %arg7[%swap3A_529, %swap3A_530], %add3A_524 {strides = array<i32>} : memref<128x64xf32, #tpu.memory_space<vmem>>, vector<16xf32>,
      %add3A_532 = arith.constant 0 : i32
      %add3A_533 = arith.addi %squeeze3A_70, %add3A_532 : i32
      %get3A_534 = arith.index_cast %add3A_533 : i32 to index
      %get3A_535 = tpu.vector_load %arg5[%get3A_534] {strides = array<i32>} : memref<64000xf32, #tpu.memory_space<vmem>>, vector<16xf32>,
      %add3A_536 = arith.constant 0 : i32
      %add3A_537 = arith.addi %squeeze3A_72, %add3A_536 : i32
      %get3A_538 = arith.index_cast %add3A_537 : i32 to index
      %get3A_539 = tpu.vector_load %arg5[%get3A_538] {strides = array<i32>} : memref<64000xf32, #tpu.memory_space<vmem>>, vector<16xf32>,
      %add3A_540 = arith.addf %get3A_535, %get3A_539 : vector<16xf32>
      %add3A_541 = arith.constant 0 : i32
      %add3A_542 = arith.addi %squeeze3A_74, %add3A_541 : i32
      %get3A_543 = arith.index_cast %add3A_542 : i32 to index
      %get3A_544 = tpu.vector_load %arg5[%get3A_543] {strides = array<i32>} : memref<64000xf32, #tpu.memory_space<vmem>>, vector<16xf32>,
      %add3A_545 = arith.addf %add3A_540, %get3A_544 : vector<16xf32>
      %add3A_546 = arith.constant 0 : i32
      %add3A_547 = arith.addi %squeeze3A_76, %add3A_546 : i32
      %get3A_548 = arith.index_cast %add3A_547 : i32 to index
      %get3A_549 = tpu.vector_load %arg5[%get3A_548] {strides = array<i32>} : memref<64000xf32, #tpu.memory_space<vmem>>, vector<16xf32>,
      %add3A_550 = arith.addf %add3A_545, %get3A_549 : vector<16xf32>
      %add3A_551 = arith.constant 0 : i32
      %add3A_552 = arith.addi %squeeze3A_78, %add3A_551 : i32
      %get3A_553 = arith.index_cast %add3A_552 : i32 to index
      %get3A_554 = tpu.vector_load %arg5[%get3A_553] {strides = array<i32>} : memref<64000xf32, #tpu.memory_space<vmem>>, vector<16xf32>,
      %add3A_555 = arith.addf %add3A_550, %get3A_554 : vector<16xf32>
      %add3A_556 = arith.constant 0 : i32
      %add3A_557 = arith.addi %squeeze3A_80, %add3A_556 : i32
      %get3A_558 = arith.index_cast %add3A_557 : i32 to index
      %get3A_559 = tpu.vector_load %arg5[%get3A_558] {strides = array<i32>} : memref<64000xf32, #tpu.memory_space<vmem>>, vector<16xf32>,
      %add3A_560 = arith.addf %add3A_555, %get3A_559 : vector<16xf32>
      %add3A_561 = arith.constant 0 : i32
      %add3A_562 = arith.addi %squeeze3A_82, %add3A_561 : i32
      %get3A_563 = arith.index_cast %add3A_562 : i32 to index
      %get3A_564 = tpu.vector_load %arg5[%get3A_563] {strides = array<i32>} : memref<64000xf32, #tpu.memory_space<vmem>>, vector<16xf32>,
      %add3A_565 = arith.addf %add3A_560, %get3A_564 : vector<16xf32>
      %add3A_566 = arith.constant 0 : i32
      %add3A_567 = arith.addi %squeeze3A_84, %add3A_566 : i32
      %get3A_568 = arith.index_cast %add3A_567 : i32 to index
      %get3A_569 = tpu.vector_load %arg5[%get3A_568] {strides = array<i32>} : memref<64000xf32, #tpu.memory_space<vmem>>, vector<16xf32>,
      %add3A_570 = arith.addf %add3A_565, %get3A_569 : vector<16xf32>
      %add3A_571 = arith.constant 0 : i32
      %add3A_572 = arith.addi %squeeze3A_86, %add3A_571 : i32
      %get3A_573 = arith.index_cast %add3A_572 : i32 to index
      %get3A_574 = tpu.vector_load %arg5[%get3A_573] {strides = array<i32>} : memref<64000xf32, #tpu.memory_space<vmem>>, vector<16xf32>,
      %add3A_575 = arith.addf %add3A_570, %get3A_574 : vector<16xf32>
      %add3A_576 = arith.constant 0 : i32
      %add3A_577 = arith.addi %squeeze3A_88, %add3A_576 : i32
      %get3A_578 = arith.index_cast %add3A_577 : i32 to index
      %get3A_579 = tpu.vector_load %arg5[%get3A_578] {strides = array<i32>} : memref<64000xf32, #tpu.memory_space<vmem>>, vector<16xf32>,
      %add3A_580 = arith.addf %add3A_575, %get3A_579 : vector<16xf32>
      %add3A_581 = arith.constant 0 : i32
      %add3A_582 = arith.addi %squeeze3A_90, %add3A_581 : i32
      %get3A_583 = arith.index_cast %add3A_582 : i32 to index
      %get3A_584 = tpu.vector_load %arg5[%get3A_583] {strides = array<i32>} : memref<64000xf32, #tpu.memory_space<vmem>>, vector<16xf32>,
      %add3A_585 = arith.addf %add3A_580, %get3A_584 : vector<16xf32>
      %add3A_586 = arith.constant 0 : i32
      %add3A_587 = arith.addi %squeeze3A_92, %add3A_586 : i32
      %get3A_588 = arith.index_cast %add3A_587 : i32 to index
      %get3A_589 = tpu.vector_load %arg5[%get3A_588] {strides = array<i32>} : memref<64000xf32, #tpu.memory_space<vmem>>, vector<16xf32>,
      %add3A_590 = arith.addf %add3A_585, %get3A_589 : vector<16xf32>
      %add3A_591 = arith.constant 0 : i32
      %add3A_592 = arith.addi %squeeze3A_94, %add3A_591 : i32
      %get3A_593 = arith.index_cast %add3A_592 : i32 to index
      %get3A_594 = tpu.vector_load %arg5[%get3A_593] {strides = array<i32>} : memref<64000xf32, #tpu.memory_space<vmem>>, vector<16xf32>,
      %add3A_595 = arith.addf %add3A_590, %get3A_594 : vector<16xf32>
      %add3A_596 = arith.constant 0 : i32
      %add3A_597 = arith.addi %squeeze3A_96, %add3A_596 : i32
      %get3A_598 = arith.index_cast %add3A_597 : i32 to index
      %get3A_599 = tpu.vector_load %arg5[%get3A_598] {strides = array<i32>} : memref<64000xf32, #tpu.memory_space<vmem>>, vector<16xf32>,
      %add3A_600 = arith.addf %add3A_595, %get3A_599 : vector<16xf32>
      %add3A_601 = arith.constant 0 : i32
      %add3A_602 = arith.addi %squeeze3A_98, %add3A_601 : i32
      %get3A_603 = arith.index_cast %add3A_602 : i32 to index
      %get3A_604 = tpu.vector_load %arg5[%get3A_603] {strides = array<i32>} : memref<64000xf32, #tpu.memory_space<vmem>>, vector<16xf32>,
      %add3A_605 = arith.addf %add3A_600, %get3A_604 : vector<16xf32>
      %add3A_606 = arith.constant 0 : i32
      %add3A_607 = arith.addi %squeeze3A_100, %add3A_606 : i32
      %get3A_608 = arith.index_cast %add3A_607 : i32 to index
      %get3A_609 = tpu.vector_load %arg5[%get3A_608] {strides = array<i32>} : memref<64000xf32, #tpu.memory_space<vmem>>, vector<16xf32>,
      %add3A_610 = arith.addf %add3A_605, %get3A_609 : vector<16xf32>
      %add3A_611 = arith.constant 0 : i32
      %add3A_612 = arith.addi %squeeze3A_102, %add3A_611 : i32
      %get3A_613 = arith.index_cast %add3A_612 : i32 to index
      %get3A_614 = tpu.vector_load %arg5[%get3A_613] {strides = array<i32>} : memref<64000xf32, #tpu.memory_space<vmem>>, vector<16xf32>,
      %add3A_615 = arith.addf %add3A_610, %get3A_614 : vector<16xf32>
      %add3A_616 = arith.constant 0 : i32
      %add3A_617 = arith.addi %squeeze3A_104, %add3A_616 : i32
      %get3A_618 = arith.index_cast %add3A_617 : i32 to index
      %get3A_619 = tpu.vector_load %arg5[%get3A_618] {strides = array<i32>} : memref<64000xf32, #tpu.memory_space<vmem>>, vector<16xf32>,
      %add3A_620 = arith.addf %add3A_615, %get3A_619 : vector<16xf32>
      %add3A_621 = arith.constant 0 : i32
      %add3A_622 = arith.addi %squeeze3A_106, %add3A_621 : i32
      %get3A_623 = arith.index_cast %add3A_622 : i32 to index
      %get3A_624 = tpu.vector_load %arg5[%get3A_623] {strides = array<i32>} : memref<64000xf32, #tpu.memory_space<vmem>>, vector<16xf32>,
      %add3A_625 = arith.addf %add3A_620, %get3A_624 : vector<16xf32>
      %add3A_626 = arith.constant 0 : i32
      %add3A_627 = arith.addi %squeeze3A_108, %add3A_626 : i32
      %get3A_628 = arith.index_cast %add3A_627 : i32 to index
      %get3A_629 = tpu.vector_load %arg5[%get3A_628] {strides = array<i32>} : memref<64000xf32, #tpu.memory_space<vmem>>, vector<16xf32>,
      %add3A_630 = arith.addf %add3A_625, %get3A_629 : vector<16xf32>
      %mul3A_631 = arith.constant 2 : i32
      %mul3A_632 = arith.muli %mul3A_631, %scan3A_10 : i32
      %add3A_633 = arith.constant 1 : i32
      %add3A_634 = arith.addi %mul3A_632, %add3A_633 : i32
      %swap3A_635 = arith.index_cast %add3A_634 : i32 to index
      %swap3A_636 = arith.constant 0 : index
      %swap3A_637 = tpu.vector_load %arg7[%swap3A_635, %swap3A_636] {strides = array<i32>} : memref<128x64xf32, #tpu.memory_space<vmem>>, vector<16xf32>,
      tpu.vector_store %arg7[%swap3A_635, %swap3A_636], %add3A_630 {strides = array<i32>} : memref<128x64xf32, #tpu.memory_space<vmem>>, vector<16xf32>,
      %add3A_638 = arith.constant 16 : i32
      %add3A_639 = arith.addi %squeeze3A_70, %add3A_638 : i32
      %get3A_640 = arith.index_cast %add3A_639 : i32 to index
      %get3A_641 = tpu.vector_load %arg5[%get3A_640] {strides = array<i32>} : memref<64000xf32, #tpu.memory_space<vmem>>, vector<16xf32>,
      %add3A_642 = arith.constant 16 : i32
      %add3A_643 = arith.addi %squeeze3A_72, %add3A_642 : i32
      %get3A_644 = arith.index_cast %add3A_643 : i32 to index
      %get3A_645 = tpu.vector_load %arg5[%get3A_644] {strides = array<i32>} : memref<64000xf32, #tpu.memory_space<vmem>>, vector<16xf32>,
      %add3A_646 = arith.addf %get3A_641, %get3A_645 : vector<16xf32>
      %add3A_647 = arith.constant 16 : i32
      %add3A_648 = arith.addi %squeeze3A_74, %add3A_647 : i32
      %get3A_649 = arith.index_cast %add3A_648 : i32 to index
      %get3A_650 = tpu.vector_load %arg5[%get3A_649] {strides = array<i32>} : memref<64000xf32, #tpu.memory_space<vmem>>, vector<16xf32>,
      %add3A_651 = arith.addf %add3A_646, %get3A_650 : vector<16xf32>
      %add3A_652 = arith.constant 16 : i32
      %add3A_653 = arith.addi %squeeze3A_76, %add3A_652 : i32
      %get3A_654 = arith.index_cast %add3A_653 : i32 to index
      %get3A_655 = tpu.vector_load %arg5[%get3A_654] {strides = array<i32>} : memref<64000xf32, #tpu.memory_space<vmem>>, vector<16xf32>,
      %add3A_656 = arith.addf %add3A_651, %get3A_655 : vector<16xf32>
      %add3A_657 = arith.constant 16 : i32
      %add3A_658 = arith.addi %squeeze3A_78, %add3A_657 : i32
      %get3A_659 = arith.index_cast %add3A_658 : i32 to index
      %get3A_660 = tpu.vector_load %arg5[%get3A_659] {strides = array<i32>} : memref<64000xf32, #tpu.memory_space<vmem>>, vector<16xf32>,
      %add3A_661 = arith.addf %add3A_656, %get3A_660 : vector<16xf32>
      %add3A_662 = arith.constant 16 : i32
      %add3A_663 = arith.addi %squeeze3A_80, %add3A_662 : i32
      %get3A_664 = arith.index_cast %add3A_663 : i32 to index
      %get3A_665 = tpu.vector_load %arg5[%get3A_664] {strides = array<i32>} : memref<64000xf32, #tpu.memory_space<vmem>>, vector<16xf32>,
      %add3A_666 = arith.addf %add3A_661, %get3A_665 : vector<16xf32>
      %add3A_667 = arith.constant 16 : i32
      %add3A_668 = arith.addi %squeeze3A_82, %add3A_667 : i32
      %get3A_669 = arith.index_cast %add3A_668 : i32 to index
      %get3A_670 = tpu.vector_load %arg5[%get3A_669] {strides = array<i32>} : memref<64000xf32, #tpu.memory_space<vmem>>, vector<16xf32>,
      %add3A_671 = arith.addf %add3A_666, %get3A_670 : vector<16xf32>
      %add3A_672 = arith.constant 16 : i32
      %add3A_673 = arith.addi %squeeze3A_84, %add3A_672 : i32
      %get3A_674 = arith.index_cast %add3A_673 : i32 to index
      %get3A_675 = tpu.vector_load %arg5[%get3A_674] {strides = array<i32>} : memref<64000xf32, #tpu.memory_space<vmem>>, vector<16xf32>,
      %add3A_676 = arith.addf %add3A_671, %get3A_675 : vector<16xf32>
      %add3A_677 = arith.constant 16 : i32
      %add3A_678 = arith.addi %squeeze3A_86, %add3A_677 : i32
      %get3A_679 = arith.index_cast %add3A_678 : i32 to index
      %get3A_680 = tpu.vector_load %arg5[%get3A_679] {strides = array<i32>} : memref<64000xf32, #tpu.memory_space<vmem>>, vector<16xf32>,
      %add3A_681 = arith.addf %add3A_676, %get3A_680 : vector<16xf32>
      %add3A_682 = arith.constant 16 : i32
      %add3A_683 = arith.addi %squeeze3A_88, %add3A_682 : i32
      %get3A_684 = arith.index_cast %add3A_683 : i32 to index
      %get3A_685 = tpu.vector_load %arg5[%get3A_684] {strides = array<i32>} : memref<64000xf32, #tpu.memory_space<vmem>>, vector<16xf32>,
      %add3A_686 = arith.addf %add3A_681, %get3A_685 : vector<16xf32>
      %add3A_687 = arith.constant 16 : i32
      %add3A_688 = arith.addi %squeeze3A_90, %add3A_687 : i32
      %get3A_689 = arith.index_cast %add3A_688 : i32 to index
      %get3A_690 = tpu.vector_load %arg5[%get3A_689] {strides = array<i32>} : memref<64000xf32, #tpu.memory_space<vmem>>, vector<16xf32>,
      %add3A_691 = arith.addf %add3A_686, %get3A_690 : vector<16xf32>
      %add3A_692 = arith.constant 16 : i32
      %add3A_693 = arith.addi %squeeze3A_92, %add3A_692 : i32
      %get3A_694 = arith.index_cast %add3A_693 : i32 to index
      %get3A_695 = tpu.vector_load %arg5[%get3A_694] {strides = array<i32>} : memref<64000xf32, #tpu.memory_space<vmem>>, vector<16xf32>,
      %add3A_696 = arith.addf %add3A_691, %get3A_695 : vector<16xf32>
      %add3A_697 = arith.constant 16 : i32
      %add3A_698 = arith.addi %squeeze3A_94, %add3A_697 : i32
      %get3A_699 = arith.index_cast %add3A_698 : i32 to index
      %get3A_700 = tpu.vector_load %arg5[%get3A_699] {strides = array<i32>} : memref<64000xf32, #tpu.memory_space<vmem>>, vector<16xf32>,
      %add3A_701 = arith.addf %add3A_696, %get3A_700 : vector<16xf32>
      %add3A_702 = arith.constant 16 : i32
      %add3A_703 = arith.addi %squeeze3A_96, %add3A_702 : i32
      %get3A_704 = arith.index_cast %add3A_703 : i32 to index
      %get3A_705 = tpu.vector_load %arg5[%get3A_704] {strides = array<i32>} : memref<64000xf32, #tpu.memory_space<vmem>>, vector<16xf32>,
      %add3A_706 = arith.addf %add3A_701, %get3A_705 : vector<16xf32>
      %add3A_707 = arith.constant 16 : i32
      %add3A_708 = arith.addi %squeeze3A_98, %add3A_707 : i32
      %get3A_709 = arith.index_cast %add3A_708 : i32 to index
      %get3A_710 = tpu.vector_load %arg5[%get3A_709] {strides = array<i32>} : memref<64000xf32, #tpu.memory_space<vmem>>, vector<16xf32>,
      %add3A_711 = arith.addf %add3A_706, %get3A_710 : vector<16xf32>
      %add3A_712 = arith.constant 16 : i32
      %add3A_713 = arith.addi %squeeze3A_100, %add3A_712 : i32
      %get3A_714 = arith.index_cast %add3A_713 : i32 to index
      %get3A_715 = tpu.vector_load %arg5[%get3A_714] {strides = array<i32>} : memref<64000xf32, #tpu.memory_space<vmem>>, vector<16xf32>,
      %add3A_716 = arith.addf %add3A_711, %get3A_715 : vector<16xf32>
      %add3A_717 = arith.constant 16 : i32
      %add3A_718 = arith.addi %squeeze3A_102, %add3A_717 : i32
      %get3A_719 = arith.index_cast %add3A_718 : i32 to index
      %get3A_720 = tpu.vector_load %arg5[%get3A_719] {strides = array<i32>} : memref<64000xf32, #tpu.memory_space<vmem>>, vector<16xf32>,
      %add3A_721 = arith.addf %add3A_716, %get3A_720 : vector<16xf32>
      %add3A_722 = arith.constant 16 : i32
      %add3A_723 = arith.addi %squeeze3A_104, %add3A_722 : i32
      %get3A_724 = arith.index_cast %add3A_723 : i32 to index
      %get3A_725 = tpu.vector_load %arg5[%get3A_724] {strides = array<i32>} : memref<64000xf32, #tpu.memory_space<vmem>>, vector<16xf32>,
      %add3A_726 = arith.addf %add3A_721, %get3A_725 : vector<16xf32>
      %add3A_727 = arith.constant 16 : i32
      %add3A_728 = arith.addi %squeeze3A_106, %add3A_727 : i32
      %get3A_729 = arith.index_cast %add3A_728 : i32 to index
      %get3A_730 = tpu.vector_load %arg5[%get3A_729] {strides = array<i32>} : memref<64000xf32, #tpu.memory_space<vmem>>, vector<16xf32>,
      %add3A_731 = arith.addf %add3A_726, %get3A_730 : vector<16xf32>
      %add3A_732 = arith.constant 16 : i32
      %add3A_733 = arith.addi %squeeze3A_108, %add3A_732 : i32
      %get3A_734 = arith.index_cast %add3A_733 : i32 to index
      %get3A_735 = tpu.vector_load %arg5[%get3A_734] {strides = array<i32>} : memref<64000xf32, #tpu.memory_space<vmem>>, vector<16xf32>,
      %add3A_736 = arith.addf %add3A_731, %get3A_735 : vector<16xf32>
      %mul3A_737 = arith.constant 2 : i32
      %mul3A_738 = arith.muli %mul3A_737, %scan3A_10 : i32
      %add3A_739 = arith.constant 1 : i32
      %add3A_740 = arith.addi %mul3A_738, %add3A_739 : i32
      %swap3A_741 = arith.index_cast %add3A_740 : i32 to index
      %swap3A_742 = arith.constant 16 : index
      %swap3A_743 = tpu.vector_load %arg7[%swap3A_741, %swap3A_742] {strides = array<i32>} : memref<128x64xf32, #tpu.memory_space<vmem>>, vector<16xf32>,
      tpu.vector_store %arg7[%swap3A_741, %swap3A_742], %add3A_736 {strides = array<i32>} : memref<128x64xf32, #tpu.memory_space<vmem>>, vector<16xf32>,
      %add3A_744 = arith.constant 32 : i32
      %add3A_745 = arith.addi %squeeze3A_70, %add3A_744 : i32
      %get3A_746 = arith.index_cast %add3A_745 : i32 to index
      %get3A_747 = tpu.vector_load %arg5[%get3A_746] {strides = array<i32>} : memref<64000xf32, #tpu.memory_space<vmem>>, vector<16xf32>,
      %add3A_748 = arith.constant 32 : i32
      %add3A_749 = arith.addi %squeeze3A_72, %add3A_748 : i32
      %get3A_750 = arith.index_cast %add3A_749 : i32 to index
      %get3A_751 = tpu.vector_load %arg5[%get3A_750] {strides = array<i32>} : memref<64000xf32, #tpu.memory_space<vmem>>, vector<16xf32>,
      %add3A_752 = arith.addf %get3A_747, %get3A_751 : vector<16xf32>
      %add3A_753 = arith.constant 32 : i32
      %add3A_754 = arith.addi %squeeze3A_74, %add3A_753 : i32
      %get3A_755 = arith.index_cast %add3A_754 : i32 to index
      %get3A_756 = tpu.vector_load %arg5[%get3A_755] {strides = array<i32>} : memref<64000xf32, #tpu.memory_space<vmem>>, vector<16xf32>,
      %add3A_757 = arith.addf %add3A_752, %get3A_756 : vector<16xf32>
      %add3A_758 = arith.constant 32 : i32
      %add3A_759 = arith.addi %squeeze3A_76, %add3A_758 : i32
      %get3A_760 = arith.index_cast %add3A_759 : i32 to index
      %get3A_761 = tpu.vector_load %arg5[%get3A_760] {strides = array<i32>} : memref<64000xf32, #tpu.memory_space<vmem>>, vector<16xf32>,
      %add3A_762 = arith.addf %add3A_757, %get3A_761 : vector<16xf32>
      %add3A_763 = arith.constant 32 : i32
      %add3A_764 = arith.addi %squeeze3A_78, %add3A_763 : i32
      %get3A_765 = arith.index_cast %add3A_764 : i32 to index
      %get3A_766 = tpu.vector_load %arg5[%get3A_765] {strides = array<i32>} : memref<64000xf32, #tpu.memory_space<vmem>>, vector<16xf32>,
      %add3A_767 = arith.addf %add3A_762, %get3A_766 : vector<16xf32>
      %add3A_768 = arith.constant 32 : i32
      %add3A_769 = arith.addi %squeeze3A_80, %add3A_768 : i32
      %get3A_770 = arith.index_cast %add3A_769 : i32 to index
      %get3A_771 = tpu.vector_load %arg5[%get3A_770] {strides = array<i32>} : memref<64000xf32, #tpu.memory_space<vmem>>, vector<16xf32>,
      %add3A_772 = arith.addf %add3A_767, %get3A_771 : vector<16xf32>
      %add3A_773 = arith.constant 32 : i32
      %add3A_774 = arith.addi %squeeze3A_82, %add3A_773 : i32
      %get3A_775 = arith.index_cast %add3A_774 : i32 to index
      %get3A_776 = tpu.vector_load %arg5[%get3A_775] {strides = array<i32>} : memref<64000xf32, #tpu.memory_space<vmem>>, vector<16xf32>,
      %add3A_777 = arith.addf %add3A_772, %get3A_776 : vector<16xf32>
      %add3A_778 = arith.constant 32 : i32
      %add3A_779 = arith.addi %squeeze3A_84, %add3A_778 : i32
      %get3A_780 = arith.index_cast %add3A_779 : i32 to index
      %get3A_781 = tpu.vector_load %arg5[%get3A_780] {strides = array<i32>} : memref<64000xf32, #tpu.memory_space<vmem>>, vector<16xf32>,
      %add3A_782 = arith.addf %add3A_777, %get3A_781 : vector<16xf32>
      %add3A_783 = arith.constant 32 : i32
      %add3A_784 = arith.addi %squeeze3A_86, %add3A_783 : i32
      %get3A_785 = arith.index_cast %add3A_784 : i32 to index
      %get3A_786 = tpu.vector_load %arg5[%get3A_785] {strides = array<i32>} : memref<64000xf32, #tpu.memory_space<vmem>>, vector<16xf32>,
      %add3A_787 = arith.addf %add3A_782, %get3A_786 : vector<16xf32>
      %add3A_788 = arith.constant 32 : i32
      %add3A_789 = arith.addi %squeeze3A_88, %add3A_788 : i32
      %get3A_790 = arith.index_cast %add3A_789 : i32 to index
      %get3A_791 = tpu.vector_load %arg5[%get3A_790] {strides = array<i32>} : memref<64000xf32, #tpu.memory_space<vmem>>, vector<16xf32>,
      %add3A_792 = arith.addf %add3A_787, %get3A_791 : vector<16xf32>
      %add3A_793 = arith.constant 32 : i32
      %add3A_794 = arith.addi %squeeze3A_90, %add3A_793 : i32
      %get3A_795 = arith.index_cast %add3A_794 : i32 to index
      %get3A_796 = tpu.vector_load %arg5[%get3A_795] {strides = array<i32>} : memref<64000xf32, #tpu.memory_space<vmem>>, vector<16xf32>,
      %add3A_797 = arith.addf %add3A_792, %get3A_796 : vector<16xf32>
      %add3A_798 = arith.constant 32 : i32
      %add3A_799 = arith.addi %squeeze3A_92, %add3A_798 : i32
      %get3A_800 = arith.index_cast %add3A_799 : i32 to index
      %get3A_801 = tpu.vector_load %arg5[%get3A_800] {strides = array<i32>} : memref<64000xf32, #tpu.memory_space<vmem>>, vector<16xf32>,
      %add3A_802 = arith.addf %add3A_797, %get3A_801 : vector<16xf32>
      %add3A_803 = arith.constant 32 : i32
      %add3A_804 = arith.addi %squeeze3A_94, %add3A_803 : i32
      %get3A_805 = arith.index_cast %add3A_804 : i32 to index
      %get3A_806 = tpu.vector_load %arg5[%get3A_805] {strides = array<i32>} : memref<64000xf32, #tpu.memory_space<vmem>>, vector<16xf32>,
      %add3A_807 = arith.addf %add3A_802, %get3A_806 : vector<16xf32>
      %add3A_808 = arith.constant 32 : i32
      %add3A_809 = arith.addi %squeeze3A_96, %add3A_808 : i32
      %get3A_810 = arith.index_cast %add3A_809 : i32 to index
      %get3A_811 = tpu.vector_load %arg5[%get3A_810] {strides = array<i32>} : memref<64000xf32, #tpu.memory_space<vmem>>, vector<16xf32>,
      %add3A_812 = arith.addf %add3A_807, %get3A_811 : vector<16xf32>
      %add3A_813 = arith.constant 32 : i32
      %add3A_814 = arith.addi %squeeze3A_98, %add3A_813 : i32
      %get3A_815 = arith.index_cast %add3A_814 : i32 to index
      %get3A_816 = tpu.vector_load %arg5[%get3A_815] {strides = array<i32>} : memref<64000xf32, #tpu.memory_space<vmem>>, vector<16xf32>,
      %add3A_817 = arith.addf %add3A_812, %get3A_816 : vector<16xf32>
      %add3A_818 = arith.constant 32 : i32
      %add3A_819 = arith.addi %squeeze3A_100, %add3A_818 : i32
      %get3A_820 = arith.index_cast %add3A_819 : i32 to index
      %get3A_821 = tpu.vector_load %arg5[%get3A_820] {strides = array<i32>} : memref<64000xf32, #tpu.memory_space<vmem>>, vector<16xf32>,
      %add3A_822 = arith.addf %add3A_817, %get3A_821 : vector<16xf32>
      %add3A_823 = arith.constant 32 : i32
      %add3A_824 = arith.addi %squeeze3A_102, %add3A_823 : i32
      %get3A_825 = arith.index_cast %add3A_824 : i32 to index
      %get3A_826 = tpu.vector_load %arg5[%get3A_825] {strides = array<i32>} : memref<64000xf32, #tpu.memory_space<vmem>>, vector<16xf32>,
      %add3A_827 = arith.addf %add3A_822, %get3A_826 : vector<16xf32>
      %add3A_828 = arith.constant 32 : i32
      %add3A_829 = arith.addi %squeeze3A_104, %add3A_828 : i32
      %get3A_830 = arith.index_cast %add3A_829 : i32 to index
      %get3A_831 = tpu.vector_load %arg5[%get3A_830] {strides = array<i32>} : memref<64000xf32, #tpu.memory_space<vmem>>, vector<16xf32>,
      %add3A_832 = arith.addf %add3A_827, %get3A_831 : vector<16xf32>
      %add3A_833 = arith.constant 32 : i32
      %add3A_834 = arith.addi %squeeze3A_106, %add3A_833 : i32
      %get3A_835 = arith.index_cast %add3A_834 : i32 to index
      %get3A_836 = tpu.vector_load %arg5[%get3A_835] {strides = array<i32>} : memref<64000xf32, #tpu.memory_space<vmem>>, vector<16xf32>,
      %add3A_837 = arith.addf %add3A_832, %get3A_836 : vector<16xf32>
      %add3A_838 = arith.constant 32 : i32
      %add3A_839 = arith.addi %squeeze3A_108, %add3A_838 : i32
      %get3A_840 = arith.index_cast %add3A_839 : i32 to index
      %get3A_841 = tpu.vector_load %arg5[%get3A_840] {strides = array<i32>} : memref<64000xf32, #tpu.memory_space<vmem>>, vector<16xf32>,
      %add3A_842 = arith.addf %add3A_837, %get3A_841 : vector<16xf32>
      %mul3A_843 = arith.constant 2 : i32
      %mul3A_844 = arith.muli %mul3A_843, %scan3A_10 : i32
      %add3A_845 = arith.constant 1 : i32
      %add3A_846 = arith.addi %mul3A_844, %add3A_845 : i32
      %swap3A_847 = arith.index_cast %add3A_846 : i32 to index
      %swap3A_848 = arith.constant 32 : index
      %swap3A_849 = tpu.vector_load %arg7[%swap3A_847, %swap3A_848] {strides = array<i32>} : memref<128x64xf32, #tpu.memory_space<vmem>>, vector<16xf32>,
      tpu.vector_store %arg7[%swap3A_847, %swap3A_848], %add3A_842 {strides = array<i32>} : memref<128x64xf32, #tpu.memory_space<vmem>>, vector<16xf32>,
      %add3A_850 = arith.constant 48 : i32
      %add3A_851 = arith.addi %squeeze3A_70, %add3A_850 : i32
      %get3A_852 = arith.index_cast %add3A_851 : i32 to index
      %get3A_853 = tpu.vector_load %arg5[%get3A_852] {strides = array<i32>} : memref<64000xf32, #tpu.memory_space<vmem>>, vector<16xf32>,
      %add3A_854 = arith.constant 48 : i32
      %add3A_855 = arith.addi %squeeze3A_72, %add3A_854 : i32
      %get3A_856 = arith.index_cast %add3A_855 : i32 to index
      %get3A_857 = tpu.vector_load %arg5[%get3A_856] {strides = array<i32>} : memref<64000xf32, #tpu.memory_space<vmem>>, vector<16xf32>,
      %add3A_858 = arith.addf %get3A_853, %get3A_857 : vector<16xf32>
      %add3A_859 = arith.constant 48 : i32
      %add3A_860 = arith.addi %squeeze3A_74, %add3A_859 : i32
      %get3A_861 = arith.index_cast %add3A_860 : i32 to index
      %get3A_862 = tpu.vector_load %arg5[%get3A_861] {strides = array<i32>} : memref<64000xf32, #tpu.memory_space<vmem>>, vector<16xf32>,
      %add3A_863 = arith.addf %add3A_858, %get3A_862 : vector<16xf32>
      %add3A_864 = arith.constant 48 : i32
      %add3A_865 = arith.addi %squeeze3A_76, %add3A_864 : i32
      %get3A_866 = arith.index_cast %add3A_865 : i32 to index
      %get3A_867 = tpu.vector_load %arg5[%get3A_866] {strides = array<i32>} : memref<64000xf32, #tpu.memory_space<vmem>>, vector<16xf32>,
      %add3A_868 = arith.addf %add3A_863, %get3A_867 : vector<16xf32>
      %add3A_869 = arith.constant 48 : i32
      %add3A_870 = arith.addi %squeeze3A_78, %add3A_869 : i32
      %get3A_871 = arith.index_cast %add3A_870 : i32 to index
      %get3A_872 = tpu.vector_load %arg5[%get3A_871] {strides = array<i32>} : memref<64000xf32, #tpu.memory_space<vmem>>, vector<16xf32>,
      %add3A_873 = arith.addf %add3A_868, %get3A_872 : vector<16xf32>
      %add3A_874 = arith.constant 48 : i32
      %add3A_875 = arith.addi %squeeze3A_80, %add3A_874 : i32
      %get3A_876 = arith.index_cast %add3A_875 : i32 to index
      %get3A_877 = tpu.vector_load %arg5[%get3A_876] {strides = array<i32>} : memref<64000xf32, #tpu.memory_space<vmem>>, vector<16xf32>,
      %add3A_878 = arith.addf %add3A_873, %get3A_877 : vector<16xf32>
      %add3A_879 = arith.constant 48 : i32
      %add3A_880 = arith.addi %squeeze3A_82, %add3A_879 : i32
      %get3A_881 = arith.index_cast %add3A_880 : i32 to index
      %get3A_882 = tpu.vector_load %arg5[%get3A_881] {strides = array<i32>} : memref<64000xf32, #tpu.memory_space<vmem>>, vector<16xf32>,
      %add3A_883 = arith.addf %add3A_878, %get3A_882 : vector<16xf32>
      %add3A_884 = arith.constant 48 : i32
      %add3A_885 = arith.addi %squeeze3A_84, %add3A_884 : i32
      %get3A_886 = arith.index_cast %add3A_885 : i32 to index
      %get3A_887 = tpu.vector_load %arg5[%get3A_886] {strides = array<i32>} : memref<64000xf32, #tpu.memory_space<vmem>>, vector<16xf32>,
      %add3A_888 = arith.addf %add3A_883, %get3A_887 : vector<16xf32>
      %add3A_889 = arith.constant 48 : i32
      %add3A_890 = arith.addi %squeeze3A_86, %add3A_889 : i32
      %get3A_891 = arith.index_cast %add3A_890 : i32 to index
      %get3A_892 = tpu.vector_load %arg5[%get3A_891] {strides = array<i32>} : memref<64000xf32, #tpu.memory_space<vmem>>, vector<16xf32>,
      %add3A_893 = arith.addf %add3A_888, %get3A_892 : vector<16xf32>
      %add3A_894 = arith.constant 48 : i32
      %add3A_895 = arith.addi %squeeze3A_88, %add3A_894 : i32
      %get3A_896 = arith.index_cast %add3A_895 : i32 to index
      %get3A_897 = tpu.vector_load %arg5[%get3A_896] {strides = array<i32>} : memref<64000xf32, #tpu.memory_space<vmem>>, vector<16xf32>,
      %add3A_898 = arith.addf %add3A_893, %get3A_897 : vector<16xf32>
      %add3A_899 = arith.constant 48 : i32
      %add3A_900 = arith.addi %squeeze3A_90, %add3A_899 : i32
      %get3A_901 = arith.index_cast %add3A_900 : i32 to index
      %get3A_902 = tpu.vector_load %arg5[%get3A_901] {strides = array<i32>} : memref<64000xf32, #tpu.memory_space<vmem>>, vector<16xf32>,
      %add3A_903 = arith.addf %add3A_898, %get3A_902 : vector<16xf32>
      %add3A_904 = arith.constant 48 : i32
      %add3A_905 = arith.addi %squeeze3A_92, %add3A_904 : i32
      %get3A_906 = arith.index_cast %add3A_905 : i32 to index
      %get3A_907 = tpu.vector_load %arg5[%get3A_906] {strides = array<i32>} : memref<64000xf32, #tpu.memory_space<vmem>>, vector<16xf32>,
      %add3A_908 = arith.addf %add3A_903, %get3A_907 : vector<16xf32>
      %add3A_909 = arith.constant 48 : i32
      %add3A_910 = arith.addi %squeeze3A_94, %add3A_909 : i32
      %get3A_911 = arith.index_cast %add3A_910 : i32 to index
      %get3A_912 = tpu.vector_load %arg5[%get3A_911] {strides = array<i32>} : memref<64000xf32, #tpu.memory_space<vmem>>, vector<16xf32>,
      %add3A_913 = arith.addf %add3A_908, %get3A_912 : vector<16xf32>
      %add3A_914 = arith.constant 48 : i32
      %add3A_915 = arith.addi %squeeze3A_96, %add3A_914 : i32
      %get3A_916 = arith.index_cast %add3A_915 : i32 to index
      %get3A_917 = tpu.vector_load %arg5[%get3A_916] {strides = array<i32>} : memref<64000xf32, #tpu.memory_space<vmem>>, vector<16xf32>,
      %add3A_918 = arith.addf %add3A_913, %get3A_917 : vector<16xf32>
      %add3A_919 = arith.constant 48 : i32
      %add3A_920 = arith.addi %squeeze3A_98, %add3A_919 : i32
      %get3A_921 = arith.index_cast %add3A_920 : i32 to index
      %get3A_922 = tpu.vector_load %arg5[%get3A_921] {strides = array<i32>} : memref<64000xf32, #tpu.memory_space<vmem>>, vector<16xf32>,
      %add3A_923 = arith.addf %add3A_918, %get3A_922 : vector<16xf32>
      %add3A_924 = arith.constant 48 : i32
      %add3A_925 = arith.addi %squeeze3A_100, %add3A_924 : i32
      %get3A_926 = arith.index_cast %add3A_925 : i32 to index
      %get3A_927 = tpu.vector_load %arg5[%get3A_926] {strides = array<i32>} : memref<64000xf32, #tpu.memory_space<vmem>>, vector<16xf32>,
      %add3A_928 = arith.addf %add3A_923, %get3A_927 : vector<16xf32>
      %add3A_929 = arith.constant 48 : i32
      %add3A_930 = arith.addi %squeeze3A_102, %add3A_929 : i32
      %get3A_931 = arith.index_cast %add3A_930 : i32 to index
      %get3A_932 = tpu.vector_load %arg5[%get3A_931] {strides = array<i32>} : memref<64000xf32, #tpu.memory_space<vmem>>, vector<16xf32>,
      %add3A_933 = arith.addf %add3A_928, %get3A_932 : vector<16xf32>
      %add3A_934 = arith.constant 48 : i32
      %add3A_935 = arith.addi %squeeze3A_104, %add3A_934 : i32
      %get3A_936 = arith.index_cast %add3A_935 : i32 to index
      %get3A_937 = tpu.vector_load %arg5[%get3A_936] {strides = array<i32>} : memref<64000xf32, #tpu.memory_space<vmem>>, vector<16xf32>,
      %add3A_938 = arith.addf %add3A_933, %get3A_937 : vector<16xf32>
      %add3A_939 = arith.constant 48 : i32
      %add3A_940 = arith.addi %squeeze3A_106, %add3A_939 : i32
      %get3A_941 = arith.index_cast %add3A_940 : i32 to index
      %get3A_942 = tpu.vector_load %arg5[%get3A_941] {strides = array<i32>} : memref<64000xf32, #tpu.memory_space<vmem>>, vector<16xf32>,
      %add3A_943 = arith.addf %add3A_938, %get3A_942 : vector<16xf32>
      %add3A_944 = arith.constant 48 : i32
      %add3A_945 = arith.addi %squeeze3A_108, %add3A_944 : i32
      %get3A_946 = arith.index_cast %add3A_945 : i32 to index
      %get3A_947 = tpu.vector_load %arg5[%get3A_946] {strides = array<i32>} : memref<64000xf32, #tpu.memory_space<vmem>>, vector<16xf32>,
      %add3A_948 = arith.addf %add3A_943, %get3A_947 : vector<16xf32>
      %mul3A_949 = arith.constant 2 : i32
      %mul3A_950 = arith.muli %mul3A_949, %scan3A_10 : i32
      %add3A_951 = arith.constant 1 : i32
      %add3A_952 = arith.addi %mul3A_950, %add3A_951 : i32
      %swap3A_953 = arith.index_cast %add3A_952 : i32 to index
      %swap3A_954 = arith.constant 48 : index
      %swap3A_955 = tpu.vector_load %arg7[%swap3A_953, %swap3A_954] {strides = array<i32>} : memref<128x64xf32, #tpu.memory_space<vmem>>, vector<16xf32>,
      tpu.vector_store %arg7[%swap3A_953, %swap3A_954], %add3A_948 {strides = array<i32>} : memref<128x64xf32, #tpu.memory_space<vmem>>, vector<16xf32>,
    }
    %scan3A_9 = arith.constant 64 : i32
    "tpu.region"() ({
      %run_scoped3A = tpu.sem_alloc : memref<!tpu.dma_semaphore, #tpu.memory_space<semaphore_mem>>
      %dma_start3A = arith.constant 0 : i32
      %dma_start3A_10 = tpu.memref_slice %arg4[%mul3A_2, %dma_start3A] : memref<4096x64xf32, #tpu.memory_space<hbm>> -> memref<128x64xf32, #tpu.memory_space<hbm>>
      %dma_start3A_11 = arith.constant 0 : i32
      %dma_start3A_12 = tpu.memref_slice %arg4[%mul3A_2, %dma_start3A_11] : memref<4096x64xf32, #tpu.memory_space<hbm>> -> memref<128x64xf32, #tpu.memory_space<hbm>>
      tpu.enqueue_dma source(%arg7 : memref<128x64xf32, #tpu.memory_space<vmem>>) target(%dma_start3A_12 : memref<128x64xf32, #tpu.memory_space<hbm>>) target_semaphore(%run_scoped3A : memref<!tpu.dma_semaphore, #tpu.memory_space<semaphore_mem>>)
      %dma_wait3A = arith.constant 0 : i32
      %dma_wait3A_13 = tpu.memref_slice %arg4[%mul3A_2, %dma_wait3A] : memref<4096x64xf32, #tpu.memory_space<hbm>> -> memref<128x64xf32, #tpu.memory_space<hbm>>
      %dma_wait3A_14 = arith.constant 0 : i32
      %dma_wait3A_15 = tpu.memref_slice %arg4[%mul3A_2, %dma_wait3A_14] : memref<4096x64xf32, #tpu.memory_space<hbm>> -> memref<128x64xf32, #tpu.memory_space<hbm>>
      tpu.wait_dma2 semaphore(%run_scoped3A : memref<!tpu.dma_semaphore, #tpu.memory_space<semaphore_mem>>) src(%arg7 : memref<128x64xf32, #tpu.memory_space<vmem>>) dst(%dma_wait3A_15 : memref<128x64xf32, #tpu.memory_space<hbm>>)
      tpu.yield
    }) : () -> ()
    return
  }
}

module attributes {stable_mosaic.version = 14 : i64} {
  func.func @body(%arg0: i32, %arg1: memref<64x64xf32, #tpu.memory_space<vmem>>, %arg2: memref<64x1000xf32, #tpu.memory_space<vmem>>, %arg3: memref<1x1000xf32, #tpu.memory_space<vmem>>, %arg4: memref<4096x20x1000xf32, #tpu.memory_space<any>>, %arg5: memref<4x64x20x1000xf32, #tpu.memory_space<vmem>>, %arg6: memref<4x!tpu.dma_semaphore, #tpu.memory_space<semaphore_mem>>) attributes {dimension_semantics = [#tpu.dimension_semantics<arbitrary>], iteration_bounds = array<i64: 64>, scalar_prefetch = 0 : i64, scratch_operands = 2 : i64, tpu.core_type = #tpu.core_type<tc>, window_params = [{transform_indices = @transform_0, window_bounds = array<i64: 64, 64>}, {pipeline_mode = #tpu.pipeline_mode<synchronous>, transform_indices = @transform_1, window_bounds = array<i64: 64, 1000>}, {pipeline_mode = #tpu.pipeline_mode<synchronous>, transform_indices = @transform_2, window_bounds = array<i64: 1, 1000>}, {}]} {
    %rem3A = arith.constant 4 : i32
    %rem3A_0 = arith.remsi %arg0, %rem3A : i32
    %ge3A = arith.constant 4 : i32
    %ge3A_1 = arith.cmpi sge, %arg0, %ge3A : i32
    %convert_element_type3A = arith.extui %ge3A_1 : i1 to i32
    %cond3A = arith.constant 0 : i32
    %cond3A_2 = arith.cmpi ne, %convert_element_type3A, %cond3A : i32
    scf.if %cond3A_2 {
      %dma_wait3A = tpu.memref_slice %arg6[%rem3A_0] : memref<4x!tpu.dma_semaphore, #tpu.memory_space<semaphore_mem>> -> memref<1x!tpu.dma_semaphore, #tpu.memory_space<semaphore_mem>>
      %dma_wait3A_171 = tpu.memref_squeeze %dma_wait3A : memref<1x!tpu.dma_semaphore, #tpu.memory_space<semaphore_mem>> -> memref<!tpu.dma_semaphore, #tpu.memory_space<semaphore_mem>>
      %dma_wait3A_172 = arith.constant 0 : i32
      %dma_wait3A_173 = arith.constant 0 : i32
      %dma_wait3A_174 = arith.constant 0 : i32
      %dma_wait3A_175 = tpu.memref_slice %arg4[%dma_wait3A_172, %dma_wait3A_173, %dma_wait3A_174] : memref<4096x20x1000xf32, #tpu.memory_space<any>> -> memref<64x20x1000xf32, #tpu.memory_space<any>>
      %dma_wait3A_176 = arith.constant 0 : i32
      %dma_wait3A_177 = arith.constant 0 : i32
      %dma_wait3A_178 = arith.constant 0 : i32
      %dma_wait3A_179 = tpu.memref_slice %arg5[%rem3A_0, %dma_wait3A_176, %dma_wait3A_177, %dma_wait3A_178] : memref<4x64x20x1000xf32, #tpu.memory_space<vmem>> -> memref<1x64x20x1000xf32, #tpu.memory_space<vmem>>
      %dma_wait3A_180 = tpu.memref_squeeze %dma_wait3A_179 : memref<1x64x20x1000xf32, #tpu.memory_space<vmem>> -> memref<64x20x1000xf32, #tpu.memory_space<vmem>>
      tpu.wait_dma2 semaphore(%dma_wait3A_171 : memref<!tpu.dma_semaphore, #tpu.memory_space<semaphore_mem>>) src(%dma_wait3A_180 : memref<64x20x1000xf32, #tpu.memory_space<vmem>>) dst(%dma_wait3A_175 : memref<64x20x1000xf32, #tpu.memory_space<any>>)
    } else {
    }
    %get3A = arith.constant 0 : index
    %get3A_3 = arith.constant 0 : index
    %get3A_4 = vector.load %arg1[%get3A, %get3A_3] : memref<64x64xf32, #tpu.memory_space<vmem>>, vector<64x64xf32>
    %mul3A = arith.constant 5.000000e-02 : f32
    %mul3A_5 = vector.broadcast %mul3A : f32 to vector<64x64xf32>
    %mul3A_6 = arith.mulf %get3A_4, %mul3A_5 : vector<64x64xf32>
    %get3A_7 = arith.constant 0 : index
    %get3A_8 = arith.constant 0 : index
    %get3A_9 = vector.load %arg2[%get3A_7, %get3A_8] : memref<64x1000xf32, #tpu.memory_space<vmem>>, vector<64x1000xf32>
    %dot_general3A = arith.constant dense<0.000000e+00> : vector<64x1000xf32>
    %dot_general3A_10 = tpu.matmul %mul3A_6, %get3A_9, %dot_general3A {dimension_numbers = #tpu.dot_dimension_numbers<[1], [0], [0], [1], [0, 0, 1, 1], [], []>, transpose_lhs_hint = false} : vector<64x64xf32>, vector<64x1000xf32>, vector<64x1000xf32> -> vector<64x1000xf32>
    %get3A_11 = arith.constant 0 : index
    %get3A_12 = arith.constant 0 : index
    %get3A_13 = vector.load %arg3[%get3A_11, %get3A_12] : memref<1x1000xf32, #tpu.memory_space<vmem>>, vector<1x1000xf32>
    %add3A = vector.broadcast %get3A_13 : vector<1x1000xf32> to vector<64x1000xf32>
    %add3A_14 = arith.addf %dot_general3A_10, %add3A : vector<64x1000xf32>
    %swap3A = arith.index_cast %rem3A_0 : i32 to index
    %swap3A_15 = arith.constant 0 : index
    %swap3A_16 = arith.constant 0 : index
    %swap3A_17 = arith.constant 0 : index
    %swap3A_18 = vector.load %arg5[%swap3A, %swap3A_15, %swap3A_16, %swap3A_17] : memref<4x64x20x1000xf32, #tpu.memory_space<vmem>>, vector<1x64x1x1000xf32>
    %swap3A_19 = vector.shape_cast %swap3A_18 : vector<1x64x1x1000xf32> to vector<64x1000xf32>
    %swap3A_20 = vector.shape_cast %add3A_14 : vector<64x1000xf32> to vector<1x64x1x1000xf32>
    tpu.vector_store %arg5[%swap3A, %swap3A_15, %swap3A_16, %swap3A_17], %swap3A_20 {strides = array<i32>} : memref<4x64x20x1000xf32, #tpu.memory_space<vmem>>, vector<1x64x1x1000xf32>,
    %swap3A_21 = arith.index_cast %rem3A_0 : i32 to index
    %swap3A_22 = arith.constant 0 : index
    %swap3A_23 = arith.constant 1 : index
    %swap3A_24 = arith.constant 0 : index
    %swap3A_25 = vector.load %arg5[%swap3A_21, %swap3A_22, %swap3A_23, %swap3A_24] : memref<4x64x20x1000xf32, #tpu.memory_space<vmem>>, vector<1x64x1x1000xf32>
    %swap3A_26 = vector.shape_cast %swap3A_25 : vector<1x64x1x1000xf32> to vector<64x1000xf32>
    %swap3A_27 = vector.shape_cast %add3A_14 : vector<64x1000xf32> to vector<1x64x1x1000xf32>
    tpu.vector_store %arg5[%swap3A_21, %swap3A_22, %swap3A_23, %swap3A_24], %swap3A_27 {strides = array<i32>} : memref<4x64x20x1000xf32, #tpu.memory_space<vmem>>, vector<1x64x1x1000xf32>,
    %swap3A_28 = arith.index_cast %rem3A_0 : i32 to index
    %swap3A_29 = arith.constant 0 : index
    %swap3A_30 = arith.constant 2 : index
    %swap3A_31 = arith.constant 0 : index
    %swap3A_32 = vector.load %arg5[%swap3A_28, %swap3A_29, %swap3A_30, %swap3A_31] : memref<4x64x20x1000xf32, #tpu.memory_space<vmem>>, vector<1x64x1x1000xf32>
    %swap3A_33 = vector.shape_cast %swap3A_32 : vector<1x64x1x1000xf32> to vector<64x1000xf32>
    %swap3A_34 = vector.shape_cast %add3A_14 : vector<64x1000xf32> to vector<1x64x1x1000xf32>
    tpu.vector_store %arg5[%swap3A_28, %swap3A_29, %swap3A_30, %swap3A_31], %swap3A_34 {strides = array<i32>} : memref<4x64x20x1000xf32, #tpu.memory_space<vmem>>, vector<1x64x1x1000xf32>,
    %swap3A_35 = arith.index_cast %rem3A_0 : i32 to index
    %swap3A_36 = arith.constant 0 : index
    %swap3A_37 = arith.constant 3 : index
    %swap3A_38 = arith.constant 0 : index
    %swap3A_39 = vector.load %arg5[%swap3A_35, %swap3A_36, %swap3A_37, %swap3A_38] : memref<4x64x20x1000xf32, #tpu.memory_space<vmem>>, vector<1x64x1x1000xf32>
    %swap3A_40 = vector.shape_cast %swap3A_39 : vector<1x64x1x1000xf32> to vector<64x1000xf32>
    %swap3A_41 = vector.shape_cast %add3A_14 : vector<64x1000xf32> to vector<1x64x1x1000xf32>
    tpu.vector_store %arg5[%swap3A_35, %swap3A_36, %swap3A_37, %swap3A_38], %swap3A_41 {strides = array<i32>} : memref<4x64x20x1000xf32, #tpu.memory_space<vmem>>, vector<1x64x1x1000xf32>,
    %swap3A_42 = arith.index_cast %rem3A_0 : i32 to index
    %swap3A_43 = arith.constant 0 : index
    %swap3A_44 = arith.constant 4 : index
    %swap3A_45 = arith.constant 0 : index
    %swap3A_46 = vector.load %arg5[%swap3A_42, %swap3A_43, %swap3A_44, %swap3A_45] : memref<4x64x20x1000xf32, #tpu.memory_space<vmem>>, vector<1x64x1x1000xf32>
    %swap3A_47 = vector.shape_cast %swap3A_46 : vector<1x64x1x1000xf32> to vector<64x1000xf32>
    %swap3A_48 = vector.shape_cast %add3A_14 : vector<64x1000xf32> to vector<1x64x1x1000xf32>
    tpu.vector_store %arg5[%swap3A_42, %swap3A_43, %swap3A_44, %swap3A_45], %swap3A_48 {strides = array<i32>} : memref<4x64x20x1000xf32, #tpu.memory_space<vmem>>, vector<1x64x1x1000xf32>,
    %swap3A_49 = arith.index_cast %rem3A_0 : i32 to index
    %swap3A_50 = arith.constant 0 : index
    %swap3A_51 = arith.constant 5 : index
    %swap3A_52 = arith.constant 0 : index
    %swap3A_53 = vector.load %arg5[%swap3A_49, %swap3A_50, %swap3A_51, %swap3A_52] : memref<4x64x20x1000xf32, #tpu.memory_space<vmem>>, vector<1x64x1x1000xf32>
    %swap3A_54 = vector.shape_cast %swap3A_53 : vector<1x64x1x1000xf32> to vector<64x1000xf32>
    %swap3A_55 = vector.shape_cast %add3A_14 : vector<64x1000xf32> to vector<1x64x1x1000xf32>
    tpu.vector_store %arg5[%swap3A_49, %swap3A_50, %swap3A_51, %swap3A_52], %swap3A_55 {strides = array<i32>} : memref<4x64x20x1000xf32, #tpu.memory_space<vmem>>, vector<1x64x1x1000xf32>,
    %swap3A_56 = arith.index_cast %rem3A_0 : i32 to index
    %swap3A_57 = arith.constant 0 : index
    %swap3A_58 = arith.constant 6 : index
    %swap3A_59 = arith.constant 0 : index
    %swap3A_60 = vector.load %arg5[%swap3A_56, %swap3A_57, %swap3A_58, %swap3A_59] : memref<4x64x20x1000xf32, #tpu.memory_space<vmem>>, vector<1x64x1x1000xf32>
    %swap3A_61 = vector.shape_cast %swap3A_60 : vector<1x64x1x1000xf32> to vector<64x1000xf32>
    %swap3A_62 = vector.shape_cast %add3A_14 : vector<64x1000xf32> to vector<1x64x1x1000xf32>
    tpu.vector_store %arg5[%swap3A_56, %swap3A_57, %swap3A_58, %swap3A_59], %swap3A_62 {strides = array<i32>} : memref<4x64x20x1000xf32, #tpu.memory_space<vmem>>, vector<1x64x1x1000xf32>,
    %swap3A_63 = arith.index_cast %rem3A_0 : i32 to index
    %swap3A_64 = arith.constant 0 : index
    %swap3A_65 = arith.constant 7 : index
    %swap3A_66 = arith.constant 0 : index
    %swap3A_67 = vector.load %arg5[%swap3A_63, %swap3A_64, %swap3A_65, %swap3A_66] : memref<4x64x20x1000xf32, #tpu.memory_space<vmem>>, vector<1x64x1x1000xf32>
    %swap3A_68 = vector.shape_cast %swap3A_67 : vector<1x64x1x1000xf32> to vector<64x1000xf32>
    %swap3A_69 = vector.shape_cast %add3A_14 : vector<64x1000xf32> to vector<1x64x1x1000xf32>
    tpu.vector_store %arg5[%swap3A_63, %swap3A_64, %swap3A_65, %swap3A_66], %swap3A_69 {strides = array<i32>} : memref<4x64x20x1000xf32, #tpu.memory_space<vmem>>, vector<1x64x1x1000xf32>,
    %swap3A_70 = arith.index_cast %rem3A_0 : i32 to index
    %swap3A_71 = arith.constant 0 : index
    %swap3A_72 = arith.constant 8 : index
    %swap3A_73 = arith.constant 0 : index
    %swap3A_74 = vector.load %arg5[%swap3A_70, %swap3A_71, %swap3A_72, %swap3A_73] : memref<4x64x20x1000xf32, #tpu.memory_space<vmem>>, vector<1x64x1x1000xf32>
    %swap3A_75 = vector.shape_cast %swap3A_74 : vector<1x64x1x1000xf32> to vector<64x1000xf32>
    %swap3A_76 = vector.shape_cast %add3A_14 : vector<64x1000xf32> to vector<1x64x1x1000xf32>
    tpu.vector_store %arg5[%swap3A_70, %swap3A_71, %swap3A_72, %swap3A_73], %swap3A_76 {strides = array<i32>} : memref<4x64x20x1000xf32, #tpu.memory_space<vmem>>, vector<1x64x1x1000xf32>,
    %swap3A_77 = arith.index_cast %rem3A_0 : i32 to index
    %swap3A_78 = arith.constant 0 : index
    %swap3A_79 = arith.constant 9 : index
    %swap3A_80 = arith.constant 0 : index
    %swap3A_81 = vector.load %arg5[%swap3A_77, %swap3A_78, %swap3A_79, %swap3A_80] : memref<4x64x20x1000xf32, #tpu.memory_space<vmem>>, vector<1x64x1x1000xf32>
    %swap3A_82 = vector.shape_cast %swap3A_81 : vector<1x64x1x1000xf32> to vector<64x1000xf32>
    %swap3A_83 = vector.shape_cast %add3A_14 : vector<64x1000xf32> to vector<1x64x1x1000xf32>
    tpu.vector_store %arg5[%swap3A_77, %swap3A_78, %swap3A_79, %swap3A_80], %swap3A_83 {strides = array<i32>} : memref<4x64x20x1000xf32, #tpu.memory_space<vmem>>, vector<1x64x1x1000xf32>,
    %swap3A_84 = arith.index_cast %rem3A_0 : i32 to index
    %swap3A_85 = arith.constant 0 : index
    %swap3A_86 = arith.constant 10 : index
    %swap3A_87 = arith.constant 0 : index
    %swap3A_88 = vector.load %arg5[%swap3A_84, %swap3A_85, %swap3A_86, %swap3A_87] : memref<4x64x20x1000xf32, #tpu.memory_space<vmem>>, vector<1x64x1x1000xf32>
    %swap3A_89 = vector.shape_cast %swap3A_88 : vector<1x64x1x1000xf32> to vector<64x1000xf32>
    %swap3A_90 = vector.shape_cast %add3A_14 : vector<64x1000xf32> to vector<1x64x1x1000xf32>
    tpu.vector_store %arg5[%swap3A_84, %swap3A_85, %swap3A_86, %swap3A_87], %swap3A_90 {strides = array<i32>} : memref<4x64x20x1000xf32, #tpu.memory_space<vmem>>, vector<1x64x1x1000xf32>,
    %swap3A_91 = arith.index_cast %rem3A_0 : i32 to index
    %swap3A_92 = arith.constant 0 : index
    %swap3A_93 = arith.constant 11 : index
    %swap3A_94 = arith.constant 0 : index
    %swap3A_95 = vector.load %arg5[%swap3A_91, %swap3A_92, %swap3A_93, %swap3A_94] : memref<4x64x20x1000xf32, #tpu.memory_space<vmem>>, vector<1x64x1x1000xf32>
    %swap3A_96 = vector.shape_cast %swap3A_95 : vector<1x64x1x1000xf32> to vector<64x1000xf32>
    %swap3A_97 = vector.shape_cast %add3A_14 : vector<64x1000xf32> to vector<1x64x1x1000xf32>
    tpu.vector_store %arg5[%swap3A_91, %swap3A_92, %swap3A_93, %swap3A_94], %swap3A_97 {strides = array<i32>} : memref<4x64x20x1000xf32, #tpu.memory_space<vmem>>, vector<1x64x1x1000xf32>,
    %swap3A_98 = arith.index_cast %rem3A_0 : i32 to index
    %swap3A_99 = arith.constant 0 : index
    %swap3A_100 = arith.constant 12 : index
    %swap3A_101 = arith.constant 0 : index
    %swap3A_102 = vector.load %arg5[%swap3A_98, %swap3A_99, %swap3A_100, %swap3A_101] : memref<4x64x20x1000xf32, #tpu.memory_space<vmem>>, vector<1x64x1x1000xf32>
    %swap3A_103 = vector.shape_cast %swap3A_102 : vector<1x64x1x1000xf32> to vector<64x1000xf32>
    %swap3A_104 = vector.shape_cast %add3A_14 : vector<64x1000xf32> to vector<1x64x1x1000xf32>
    tpu.vector_store %arg5[%swap3A_98, %swap3A_99, %swap3A_100, %swap3A_101], %swap3A_104 {strides = array<i32>} : memref<4x64x20x1000xf32, #tpu.memory_space<vmem>>, vector<1x64x1x1000xf32>,
    %swap3A_105 = arith.index_cast %rem3A_0 : i32 to index
    %swap3A_106 = arith.constant 0 : index
    %swap3A_107 = arith.constant 13 : index
    %swap3A_108 = arith.constant 0 : index
    %swap3A_109 = vector.load %arg5[%swap3A_105, %swap3A_106, %swap3A_107, %swap3A_108] : memref<4x64x20x1000xf32, #tpu.memory_space<vmem>>, vector<1x64x1x1000xf32>
    %swap3A_110 = vector.shape_cast %swap3A_109 : vector<1x64x1x1000xf32> to vector<64x1000xf32>
    %swap3A_111 = vector.shape_cast %add3A_14 : vector<64x1000xf32> to vector<1x64x1x1000xf32>
    tpu.vector_store %arg5[%swap3A_105, %swap3A_106, %swap3A_107, %swap3A_108], %swap3A_111 {strides = array<i32>} : memref<4x64x20x1000xf32, #tpu.memory_space<vmem>>, vector<1x64x1x1000xf32>,
    %swap3A_112 = arith.index_cast %rem3A_0 : i32 to index
    %swap3A_113 = arith.constant 0 : index
    %swap3A_114 = arith.constant 14 : index
    %swap3A_115 = arith.constant 0 : index
    %swap3A_116 = vector.load %arg5[%swap3A_112, %swap3A_113, %swap3A_114, %swap3A_115] : memref<4x64x20x1000xf32, #tpu.memory_space<vmem>>, vector<1x64x1x1000xf32>
    %swap3A_117 = vector.shape_cast %swap3A_116 : vector<1x64x1x1000xf32> to vector<64x1000xf32>
    %swap3A_118 = vector.shape_cast %add3A_14 : vector<64x1000xf32> to vector<1x64x1x1000xf32>
    tpu.vector_store %arg5[%swap3A_112, %swap3A_113, %swap3A_114, %swap3A_115], %swap3A_118 {strides = array<i32>} : memref<4x64x20x1000xf32, #tpu.memory_space<vmem>>, vector<1x64x1x1000xf32>,
    %swap3A_119 = arith.index_cast %rem3A_0 : i32 to index
    %swap3A_120 = arith.constant 0 : index
    %swap3A_121 = arith.constant 15 : index
    %swap3A_122 = arith.constant 0 : index
    %swap3A_123 = vector.load %arg5[%swap3A_119, %swap3A_120, %swap3A_121, %swap3A_122] : memref<4x64x20x1000xf32, #tpu.memory_space<vmem>>, vector<1x64x1x1000xf32>
    %swap3A_124 = vector.shape_cast %swap3A_123 : vector<1x64x1x1000xf32> to vector<64x1000xf32>
    %swap3A_125 = vector.shape_cast %add3A_14 : vector<64x1000xf32> to vector<1x64x1x1000xf32>
    tpu.vector_store %arg5[%swap3A_119, %swap3A_120, %swap3A_121, %swap3A_122], %swap3A_125 {strides = array<i32>} : memref<4x64x20x1000xf32, #tpu.memory_space<vmem>>, vector<1x64x1x1000xf32>,
    %swap3A_126 = arith.index_cast %rem3A_0 : i32 to index
    %swap3A_127 = arith.constant 0 : index
    %swap3A_128 = arith.constant 16 : index
    %swap3A_129 = arith.constant 0 : index
    %swap3A_130 = vector.load %arg5[%swap3A_126, %swap3A_127, %swap3A_128, %swap3A_129] : memref<4x64x20x1000xf32, #tpu.memory_space<vmem>>, vector<1x64x1x1000xf32>
    %swap3A_131 = vector.shape_cast %swap3A_130 : vector<1x64x1x1000xf32> to vector<64x1000xf32>
    %swap3A_132 = vector.shape_cast %add3A_14 : vector<64x1000xf32> to vector<1x64x1x1000xf32>
    tpu.vector_store %arg5[%swap3A_126, %swap3A_127, %swap3A_128, %swap3A_129], %swap3A_132 {strides = array<i32>} : memref<4x64x20x1000xf32, #tpu.memory_space<vmem>>, vector<1x64x1x1000xf32>,
    %swap3A_133 = arith.index_cast %rem3A_0 : i32 to index
    %swap3A_134 = arith.constant 0 : index
    %swap3A_135 = arith.constant 17 : index
    %swap3A_136 = arith.constant 0 : index
    %swap3A_137 = vector.load %arg5[%swap3A_133, %swap3A_134, %swap3A_135, %swap3A_136] : memref<4x64x20x1000xf32, #tpu.memory_space<vmem>>, vector<1x64x1x1000xf32>
    %swap3A_138 = vector.shape_cast %swap3A_137 : vector<1x64x1x1000xf32> to vector<64x1000xf32>
    %swap3A_139 = vector.shape_cast %add3A_14 : vector<64x1000xf32> to vector<1x64x1x1000xf32>
    tpu.vector_store %arg5[%swap3A_133, %swap3A_134, %swap3A_135, %swap3A_136], %swap3A_139 {strides = array<i32>} : memref<4x64x20x1000xf32, #tpu.memory_space<vmem>>, vector<1x64x1x1000xf32>,
    %swap3A_140 = arith.index_cast %rem3A_0 : i32 to index
    %swap3A_141 = arith.constant 0 : index
    %swap3A_142 = arith.constant 18 : index
    %swap3A_143 = arith.constant 0 : index
    %swap3A_144 = vector.load %arg5[%swap3A_140, %swap3A_141, %swap3A_142, %swap3A_143] : memref<4x64x20x1000xf32, #tpu.memory_space<vmem>>, vector<1x64x1x1000xf32>
    %swap3A_145 = vector.shape_cast %swap3A_144 : vector<1x64x1x1000xf32> to vector<64x1000xf32>
    %swap3A_146 = vector.shape_cast %add3A_14 : vector<64x1000xf32> to vector<1x64x1x1000xf32>
    tpu.vector_store %arg5[%swap3A_140, %swap3A_141, %swap3A_142, %swap3A_143], %swap3A_146 {strides = array<i32>} : memref<4x64x20x1000xf32, #tpu.memory_space<vmem>>, vector<1x64x1x1000xf32>,
    %swap3A_147 = arith.index_cast %rem3A_0 : i32 to index
    %swap3A_148 = arith.constant 0 : index
    %swap3A_149 = arith.constant 19 : index
    %swap3A_150 = arith.constant 0 : index
    %swap3A_151 = vector.load %arg5[%swap3A_147, %swap3A_148, %swap3A_149, %swap3A_150] : memref<4x64x20x1000xf32, #tpu.memory_space<vmem>>, vector<1x64x1x1000xf32>
    %swap3A_152 = vector.shape_cast %swap3A_151 : vector<1x64x1x1000xf32> to vector<64x1000xf32>
    %swap3A_153 = vector.shape_cast %add3A_14 : vector<64x1000xf32> to vector<1x64x1x1000xf32>
    tpu.vector_store %arg5[%swap3A_147, %swap3A_148, %swap3A_149, %swap3A_150], %swap3A_153 {strides = array<i32>} : memref<4x64x20x1000xf32, #tpu.memory_space<vmem>>, vector<1x64x1x1000xf32>,
    %mul3A_154 = arith.constant 64 : i32
    %mul3A_155 = arith.muli %arg0, %mul3A_154 : i32
    %add3A_156 = arith.constant 0 : i32
    %add3A_157 = arith.addi %add3A_156, %mul3A_155 : i32
    %dma_start3A = tpu.memref_slice %arg6[%rem3A_0] : memref<4x!tpu.dma_semaphore, #tpu.memory_space<semaphore_mem>> -> memref<1x!tpu.dma_semaphore, #tpu.memory_space<semaphore_mem>>
    %dma_start3A_158 = tpu.memref_squeeze %dma_start3A : memref<1x!tpu.dma_semaphore, #tpu.memory_space<semaphore_mem>> -> memref<!tpu.dma_semaphore, #tpu.memory_space<semaphore_mem>>
    %dma_start3A_159 = arith.constant 0 : i32
    %dma_start3A_160 = arith.constant 0 : i32
    %dma_start3A_161 = tpu.memref_slice %arg4[%add3A_157, %dma_start3A_159, %dma_start3A_160] : memref<4096x20x1000xf32, #tpu.memory_space<any>> -> memref<64x20x1000xf32, #tpu.memory_space<any>>
    %dma_start3A_162 = arith.constant 0 : i32
    %dma_start3A_163 = arith.constant 0 : i32
    %dma_start3A_164 = arith.constant 0 : i32
    %dma_start3A_165 = tpu.memref_slice %arg5[%rem3A_0, %dma_start3A_162, %dma_start3A_163, %dma_start3A_164] : memref<4x64x20x1000xf32, #tpu.memory_space<vmem>> -> memref<1x64x20x1000xf32, #tpu.memory_space<vmem>>
    %dma_start3A_166 = tpu.memref_squeeze %dma_start3A_165 : memref<1x64x20x1000xf32, #tpu.memory_space<vmem>> -> memref<64x20x1000xf32, #tpu.memory_space<vmem>>
    tpu.enqueue_dma source(%dma_start3A_166 : memref<64x20x1000xf32, #tpu.memory_space<vmem>>) target(%dma_start3A_161 : memref<64x20x1000xf32, #tpu.memory_space<any>>) target_semaphore(%dma_start3A_158 : memref<!tpu.dma_semaphore, #tpu.memory_space<semaphore_mem>>)
    %eq3A = arith.constant 63 : i32
    %eq3A_167 = arith.cmpi eq, %arg0, %eq3A : i32
    %convert_element_type3A_168 = arith.extui %eq3A_167 : i1 to i32
    %cond3A_169 = arith.constant 0 : i32
    %cond3A_170 = arith.cmpi ne, %convert_element_type3A_168, %cond3A_169 : i32
    scf.if %cond3A_170 {
      %dma_wait3A = arith.constant 0 : i32
      %dma_wait3A_171 = arith.constant 0 : i32
      %dma_wait3A_172 = tpu.memref_slice %arg6[%dma_wait3A_171] : memref<4x!tpu.dma_semaphore, #tpu.memory_space<semaphore_mem>> -> memref<1x!tpu.dma_semaphore, #tpu.memory_space<semaphore_mem>>
      %dma_wait3A_173 = tpu.memref_squeeze %dma_wait3A_172 : memref<1x!tpu.dma_semaphore, #tpu.memory_space<semaphore_mem>> -> memref<!tpu.dma_semaphore, #tpu.memory_space<semaphore_mem>>
      %dma_wait3A_174 = arith.constant 0 : i32
      %dma_wait3A_175 = arith.constant 0 : i32
      %dma_wait3A_176 = arith.constant 0 : i32
      %dma_wait3A_177 = tpu.memref_slice %arg4[%dma_wait3A_174, %dma_wait3A_175, %dma_wait3A_176] : memref<4096x20x1000xf32, #tpu.memory_space<any>> -> memref<64x20x1000xf32, #tpu.memory_space<any>>
      %dma_wait3A_178 = arith.constant 0 : i32
      %dma_wait3A_179 = arith.constant 0 : i32
      %dma_wait3A_180 = arith.constant 0 : i32
      %dma_wait3A_181 = tpu.memref_slice %arg5[%dma_wait3A, %dma_wait3A_178, %dma_wait3A_179, %dma_wait3A_180] : memref<4x64x20x1000xf32, #tpu.memory_space<vmem>> -> memref<1x64x20x1000xf32, #tpu.memory_space<vmem>>
      %dma_wait3A_182 = tpu.memref_squeeze %dma_wait3A_181 : memref<1x64x20x1000xf32, #tpu.memory_space<vmem>> -> memref<64x20x1000xf32, #tpu.memory_space<vmem>>
      tpu.wait_dma2 semaphore(%dma_wait3A_173 : memref<!tpu.dma_semaphore, #tpu.memory_space<semaphore_mem>>) src(%dma_wait3A_182 : memref<64x20x1000xf32, #tpu.memory_space<vmem>>) dst(%dma_wait3A_177 : memref<64x20x1000xf32, #tpu.memory_space<any>>)
      %dma_wait3A_183 = arith.constant 1 : i32
      %dma_wait3A_184 = arith.constant 1 : i32
      %dma_wait3A_185 = tpu.memref_slice %arg6[%dma_wait3A_184] : memref<4x!tpu.dma_semaphore, #tpu.memory_space<semaphore_mem>> -> memref<1x!tpu.dma_semaphore, #tpu.memory_space<semaphore_mem>>
      %dma_wait3A_186 = tpu.memref_squeeze %dma_wait3A_185 : memref<1x!tpu.dma_semaphore, #tpu.memory_space<semaphore_mem>> -> memref<!tpu.dma_semaphore, #tpu.memory_space<semaphore_mem>>
      %dma_wait3A_187 = arith.constant 0 : i32
      %dma_wait3A_188 = arith.constant 0 : i32
      %dma_wait3A_189 = arith.constant 0 : i32
      %dma_wait3A_190 = tpu.memref_slice %arg4[%dma_wait3A_187, %dma_wait3A_188, %dma_wait3A_189] : memref<4096x20x1000xf32, #tpu.memory_space<any>> -> memref<64x20x1000xf32, #tpu.memory_space<any>>
      %dma_wait3A_191 = arith.constant 0 : i32
      %dma_wait3A_192 = arith.constant 0 : i32
      %dma_wait3A_193 = arith.constant 0 : i32
      %dma_wait3A_194 = tpu.memref_slice %arg5[%dma_wait3A_183, %dma_wait3A_191, %dma_wait3A_192, %dma_wait3A_193] : memref<4x64x20x1000xf32, #tpu.memory_space<vmem>> -> memref<1x64x20x1000xf32, #tpu.memory_space<vmem>>
      %dma_wait3A_195 = tpu.memref_squeeze %dma_wait3A_194 : memref<1x64x20x1000xf32, #tpu.memory_space<vmem>> -> memref<64x20x1000xf32, #tpu.memory_space<vmem>>
      tpu.wait_dma2 semaphore(%dma_wait3A_186 : memref<!tpu.dma_semaphore, #tpu.memory_space<semaphore_mem>>) src(%dma_wait3A_195 : memref<64x20x1000xf32, #tpu.memory_space<vmem>>) dst(%dma_wait3A_190 : memref<64x20x1000xf32, #tpu.memory_space<any>>)
      %dma_wait3A_196 = arith.constant 2 : i32
      %dma_wait3A_197 = arith.constant 2 : i32
      %dma_wait3A_198 = tpu.memref_slice %arg6[%dma_wait3A_197] : memref<4x!tpu.dma_semaphore, #tpu.memory_space<semaphore_mem>> -> memref<1x!tpu.dma_semaphore, #tpu.memory_space<semaphore_mem>>
      %dma_wait3A_199 = tpu.memref_squeeze %dma_wait3A_198 : memref<1x!tpu.dma_semaphore, #tpu.memory_space<semaphore_mem>> -> memref<!tpu.dma_semaphore, #tpu.memory_space<semaphore_mem>>
      %dma_wait3A_200 = arith.constant 0 : i32
      %dma_wait3A_201 = arith.constant 0 : i32
      %dma_wait3A_202 = arith.constant 0 : i32
      %dma_wait3A_203 = tpu.memref_slice %arg4[%dma_wait3A_200, %dma_wait3A_201, %dma_wait3A_202] : memref<4096x20x1000xf32, #tpu.memory_space<any>> -> memref<64x20x1000xf32, #tpu.memory_space<any>>
      %dma_wait3A_204 = arith.constant 0 : i32
      %dma_wait3A_205 = arith.constant 0 : i32
      %dma_wait3A_206 = arith.constant 0 : i32
      %dma_wait3A_207 = tpu.memref_slice %arg5[%dma_wait3A_196, %dma_wait3A_204, %dma_wait3A_205, %dma_wait3A_206] : memref<4x64x20x1000xf32, #tpu.memory_space<vmem>> -> memref<1x64x20x1000xf32, #tpu.memory_space<vmem>>
      %dma_wait3A_208 = tpu.memref_squeeze %dma_wait3A_207 : memref<1x64x20x1000xf32, #tpu.memory_space<vmem>> -> memref<64x20x1000xf32, #tpu.memory_space<vmem>>
      tpu.wait_dma2 semaphore(%dma_wait3A_199 : memref<!tpu.dma_semaphore, #tpu.memory_space<semaphore_mem>>) src(%dma_wait3A_208 : memref<64x20x1000xf32, #tpu.memory_space<vmem>>) dst(%dma_wait3A_203 : memref<64x20x1000xf32, #tpu.memory_space<any>>)
      %dma_wait3A_209 = arith.constant 3 : i32
      %dma_wait3A_210 = arith.constant 3 : i32
      %dma_wait3A_211 = tpu.memref_slice %arg6[%dma_wait3A_210] : memref<4x!tpu.dma_semaphore, #tpu.memory_space<semaphore_mem>> -> memref<1x!tpu.dma_semaphore, #tpu.memory_space<semaphore_mem>>
      %dma_wait3A_212 = tpu.memref_squeeze %dma_wait3A_211 : memref<1x!tpu.dma_semaphore, #tpu.memory_space<semaphore_mem>> -> memref<!tpu.dma_semaphore, #tpu.memory_space<semaphore_mem>>
      %dma_wait3A_213 = arith.constant 0 : i32
      %dma_wait3A_214 = arith.constant 0 : i32
      %dma_wait3A_215 = arith.constant 0 : i32
      %dma_wait3A_216 = tpu.memref_slice %arg4[%dma_wait3A_213, %dma_wait3A_214, %dma_wait3A_215] : memref<4096x20x1000xf32, #tpu.memory_space<any>> -> memref<64x20x1000xf32, #tpu.memory_space<any>>
      %dma_wait3A_217 = arith.constant 0 : i32
      %dma_wait3A_218 = arith.constant 0 : i32
      %dma_wait3A_219 = arith.constant 0 : i32
      %dma_wait3A_220 = tpu.memref_slice %arg5[%dma_wait3A_209, %dma_wait3A_217, %dma_wait3A_218, %dma_wait3A_219] : memref<4x64x20x1000xf32, #tpu.memory_space<vmem>> -> memref<1x64x20x1000xf32, #tpu.memory_space<vmem>>
      %dma_wait3A_221 = tpu.memref_squeeze %dma_wait3A_220 : memref<1x64x20x1000xf32, #tpu.memory_space<vmem>> -> memref<64x20x1000xf32, #tpu.memory_space<vmem>>
      tpu.wait_dma2 semaphore(%dma_wait3A_212 : memref<!tpu.dma_semaphore, #tpu.memory_space<semaphore_mem>>) src(%dma_wait3A_221 : memref<64x20x1000xf32, #tpu.memory_space<vmem>>) dst(%dma_wait3A_216 : memref<64x20x1000xf32, #tpu.memory_space<any>>)
    } else {
    }
    return
  }
  func.func @transform_0(%arg0: i32) -> (i32, i32) {
    %c0_i32 = arith.constant 0 : i32
    %c0_i32_0 = arith.constant 0 : i32
    return %arg0, %c0_i32 : i32, i32
  }
  func.func @transform_1(%arg0: i32) -> (i32, i32) {
    %c0_i32 = arith.constant 0 : i32
    %c0_i32_0 = arith.constant 0 : i32
    %c0_i32_1 = arith.constant 0 : i32
    return %c0_i32, %c0_i32_0 : i32, i32
  }
  func.func @transform_2(%arg0: i32) -> (i32, i32) {
    %c0_i32 = arith.constant 0 : i32
    %c0_i32_0 = arith.constant 0 : i32
    %c0_i32_1 = arith.constant 0 : i32
    return %c0_i32, %c0_i32_0 : i32, i32
  }
}

</mosaic_0001>

<sc_bundles>
// kernel: kernel.4.cloned.1.call-start
scs
__scs_entry_jumppad:
0x0: {  	(pc) =	sbr.rel $0x88, $3  }
0x1: {  	(tag) =	ssettag $0x0;
	lr =	simm.s32 $0x1  }
0x2: {  	[smem:$0x3F9D] =	sst lr;
	_ =	strace $0xD0000000  }
0x3: {  	_ = 	snop  }
0x4: {  	_ = 	snop  }
0x5: {  	_ = 	snop  }
0x6: {  	_ = 	snop  }
0x7: {  	_ = 	snop  }
__scs_overlays_trampoline_lowered:
0x8: {  	[smem:$0x3FAC] =	sst s0  }
0x9: {  	[smem:$0x3FAD] =	sst s1  }
0xa: {  	[smem:$0x3FAE] =	sst s2  }
0xb: {  	[smem:$0x3FAF] =	sst s3  }
0xc: {  	[smem:$0x3FB0] =	sst s4  }
0xd: {  	[smem:$0x3FB1] =	sst s5  }
0xe: {  	[smem:$0x3FB2] =	sst s6  }
0xf: {  	[smem:$0x3FB3] =	sst s7  }
0x10: {  	[smem:$0x3FB4] =	sst s8  }
0x11: {  	[smem:$0x3FB5] =	sst s9;
	s0 =	simm.s32 @!p0 $0x0  }
0x12: {  	s1 =	sld [smem:$0x3F9B];
	s0 =	simm.s32 @p0 $0x1  }
0x13: {  	[smem:$0x3FB6] =	sst s0;
	s0 =	simm.s32 @!p1 $0x0  }
0x14: {  	s2 =	sld [smem:$0x3F9A];
	s0 =	simm.s32 @p1 $0x1  }
0x15: {  	[smem:$0x3FB7] =	sst s0;
	s0 =	simm.s32 @!p2 $0x0  }
0x16: {  	s3 =	sld [smem:$0x3FDB];
	s0 =	simm.s32 @p2 $0x1  }
0x17: {  	s4 =	simm.s32 $0x1BF5;
	[smem:$0x3FB9] =	sst s0  }
0x18: {  	s0 =	sld [smem:$0x3F9C];
	_ =	swait.ge [sflag:s4], $0x0  }
0x19: {  	s7 =	sld [smem:$0x3F9D]  }
0x1a: {  	s8 =	sadd.s32 $0xFFFFE003, lr  }
0x1b: {  	s9 =	sadd.s32 $0xFFFFFEF7, lr;
	s5 =	simm.s32 $0xFFFFFFFF;
	p2 =	slt.u32 s8, $0xFFFFF086  }
0x1c: {  	p1 =	slt.u32 s9, $0xF7A;
	s5 =	simm.s32 @!p2 $0x0  }
0x1d: {  	s5 =	simm.s32 @p1 $0x1;
	p0 =	seq.s32 s7, s2  }
0x1e: {  	s7 =	smul.u32 @!p0 $0xF7A, s2;
	p2 =	seq.s32 @!p0 s5, $0x0  }
0x1f: {  	s9 =	smul.u32 $0xF7A, s1;
	s8 =	simm.s32 @!p0 $0x1BF5;
	p2 =	por !p2, p0  }
0x20: {  	[sflag:s8] =	ssyncset.s32 @!p0 $0xFFFFF086;
	s6 =	sadd.s32 @!p0 s3, s7;
	s7 =	simm.s32 @!p0 $0x108  }
0x21: {  	s3 =	sadd.s32 s3, s9;
	s6 =	sadd.s32 @!p0 $0x88, s6;
	s7 =	simm.s32 @p2 $0x1082  }
0x22: {  	[simem:s7], [sflag:s8] =	dma.local @!p0 [hbm:s6], $0xF7A  }
0x23: {  	s9 =	sor.u32 $0xD0000000, s2;
	s6 =	simm.s32 $0x108;
	_ =	swait.ge @!p0 [sflag:s8], $0x0  }
0x24: {  	s3 =	sadd.s32 $0x88, s3;
	s6 =	simm.s32 @!p1 $0x1082;
	[sflag:s4] =	ssyncset.s32 $0xFFFFF086  }
0x25: {  	[simem:s6], [sflag:s4] =	dma.local [hbm:s3], $0xF7A  }
0x26: {  	[smem:$0x3F9D] =	sst s1;
	(tag) =	ssettag s2;
	_ =	strace s9  }
0x27: {  	s1 =	sld [smem:$0x3FAD]  }
0x28: {  	s2 =	sld [smem:$0x3FAE]  }
0x29: {  	s4 =	sld [smem:$0x3FB0]  }
0x2a: {  	p0 =	seq.s32 s5, $0x0;
	s5 =	sld [smem:$0x3FB1]  }
0x2b: {  	s6 =	sld [smem:$0x3FB2]  }
0x2c: {  	s7 =	sld [smem:$0x3FB3]  }
0x2d: {  	s3 =	simm.s32 $0x108;
	s8 =	sld [smem:$0x3FB4]  }
0x2e: {  	s3 =	simm.s32 @!p0 $0x1082;
	s9 =	sld [smem:$0x3FB5]  }
0x2f: {  	lr =	sadd.s32 s0, s3;
	s0 =	sld [smem:$0x3FAC]  }
0x30: {  	s3 =	sld [smem:$0x3FAF]  }
0x31: {  	[smem:$0x3FB8] =	sst s10  }
0x32: {  	s10 =	sld [smem:$0x3FB6];
	_ =	sdelay $0x3  }
0x33: {  	p0 =	seq.s32 s10, $0x1;
	s10 =	sld [smem:$0x3FB8];
	_ =	sdelay $0x3  }
0x34: {  	[smem:$0x3FB8] =	sst s10  }
0x35: {  	s10 =	sld [smem:$0x3FB7];
	_ =	sdelay $0x3  }
0x36: {  	p1 =	seq.s32 s10, $0x1;
	s10 =	sld [smem:$0x3FB8];
	_ =	sdelay $0x3  }
0x37: {  	[smem:$0x3FB8] =	sst s10  }
0x38: {  	s10 =	sld [smem:$0x3FB9]  }
0x39: {  	_ = 	snop;
	(pc) =	sbr.ind lr, $3  }
0x3a: {  	_ = 	snop  }
0x3b: {  	_ = 	snop  }
0x3c: {  	p2 =	seq.s32 s10, $0x1;
	s10 =	sld [smem:$0x3FB8]  }
0x3d: {  	_ =	shalt  }
0x3e: {  	_ =	shalt  }
0x3f: {  	_ =	shalt  }
0x40: {  	_ =	shalt  }
0x41: {  	_ =	shalt  }
0x42: {  	_ =	shalt  }
0x43: {  	_ =	shalt  }
0x44: {  	_ =	shalt  }
0x45: {  	_ =	shalt  }
0x46: {  	_ =	shalt  }
0x47: {  	_ =	shalt  }
0x48: {  	_ =	shalt  }
0x49: {  	_ =	shalt  }
0x4a: {  	_ =	shalt  }
0x4b: {  	_ =	shalt  }
0x4c: {  	_ =	shalt  }
0x4d: {  	_ =	shalt  }
0x4e: {  	_ =	shalt  }
0x4f: {  	_ =	shalt  }
0x50: {  	_ =	shalt  }
0x51: {  	_ =	shalt  }
0x52: {  	_ =	shalt  }
0x53: {  	_ =	shalt  }
0x54: {  	_ =	shalt  }
0x55: {  	_ =	shalt  }
0x56: {  	_ =	shalt  }
0x57: {  	_ =	shalt  }
0x58: {  	_ =	shalt  }
0x59: {  	_ =	shalt  }
0x5a: {  	_ =	shalt  }
0x5b: {  	_ =	shalt  }
0x5c: {  	_ =	shalt  }
0x5d: {  	_ =	shalt  }
0x5e: {  	_ =	shalt  }
0x5f: {  	_ =	shalt  }
0x60: {  	_ =	shalt  }
0x61: {  	_ =	shalt  }
0x62: {  	_ =	shalt  }
0x63: {  	_ =	shalt  }
0x64: {  	_ =	shalt  }
0x65: {  	_ =	shalt  }
0x66: {  	_ =	shalt  }
0x67: {  	_ =	shalt  }
0x68: {  	_ =	shalt  }
0x69: {  	_ =	shalt  }
0x6a: {  	_ =	shalt  }
0x6b: {  	_ =	shalt  }
0x6c: {  	_ =	shalt  }
0x6d: {  	_ =	shalt  }
0x6e: {  	_ =	shalt  }
0x6f: {  	_ =	shalt  }
0x70: {  	_ =	shalt  }
0x71: {  	_ =	shalt  }
0x72: {  	_ =	shalt  }
0x73: {  	_ =	shalt  }
0x74: {  	_ =	shalt  }
0x75: {  	_ =	shalt  }
0x76: {  	_ =	shalt  }
0x77: {  	_ =	shalt  }
0x78: {  	_ =	shalt  }
0x79: {  	_ =	shalt  }
0x7a: {  	_ =	shalt  }
0x7b: {  	_ =	shalt  }
0x7c: {  	_ =	shalt  }
0x7d: {  	_ =	shalt  }
0x7e: {  	_ =	shalt  }
0x7f: {  	_ =	shalt  }
0x80: {  	_ =	shalt  }
0x81: {  	_ =	shalt  }
0x82: {  	_ =	shalt  }
0x83: {  	_ =	shalt  }
0x84: {  	_ =	shalt  }
0x85: {  	_ =	shalt  }
0x86: {  	_ =	shalt  }
0x87: {  	_ =	shalt  }
.Lfunc_end0:
.L_simem_size_0:
called_computation_lowered:
.L_overlay_start_0:
0x88: {  	s2 =	sld [smem:$0x3FD9]  }
0x89: {  	s3 =	sld [smem:$0x3FFE];
	_ =	sdelay $0x1  }
0x8a: {  	s1 =	srdreg.scid  }
0x8b: {  	s0 =	sand.u32 $0x1, s1  }
0x8c: {  	s17 =	sshll.u32 s0, $0xA;
	s2 =	sadd.s32 s3, s2  }
0x8d: {  	s2 =	sadd.s32 s2, s17  }
0x8e: {  	[smem:$0x3FC4] =	sst s2  }
0x8f: {  	_ = 	snop  }
0x90: {  	s2 =	sld [smem:$0x3FD0];
	(tm) =	ssettm $0x1  }
0x91: {  	s18 =	sld [smem:$0x3FFB];
	_ =	sdelay $0x3  }
0x92: {  	_ =	strace s18  }
0x93: {  	s3 =	sld [smem:$0x3FFC];
	_ =	sdelay $0x3  }
0x94: {  	_ =	strace s3  }
0x95: {  	s3 =	sld [smem:$0x3FFD];
	_ =	sdelay $0x3  }
0x96: {  	_ =	strace s3  }
0x97: {  	_ =	strace $0x8FFFFFFF  }
0x98: {  	s19 =	sld [smem:$0x3FDB];
	_ =	sdelay $0x1  }
0x99: {  	s4 =	simm.s32 $_scs_section_size  }
0x9a: {  	s5 =	simm.s32 $_size__tile_overlayer_lowered;
	s6 =	simm.s32 $_tile_overlayer_lowered  }
0x9b: {  	s22 =	simm.s32 $0x1BFF;
	s21 =	sshll.u32 s6, $0x1;
	s3 =	sadd.s32 s4, s19  }
0x9c: {  	s7 =	simm.s32 $0x0;
	s20 =	sshll.u32 s5, $0x1;
	s5 =	sadd.s32 s21, s3  }
0x9d: {  	[timem:s7], [sflag:s22] =	dma.local [hbm:s5], s20  }
0x9e: {  	_ =	swait.ge [sflag:s22], s20  }
0x9f: {  	s4 =	ssub.s32 $0x0, s20;
	[sflag:s22] =	ssyncset.done $0x0  }
0xa0: {  	[sflag:s22] =	ssyncadd.s32 s4;
	_ =	sdelay $0x1  }
0xa1: {  	s23 =	simm.s32 $0x1B8B  }
0xa2: {  	_ =	swait.ge [sflag:s23], $0x1  }
0xa3: {  	[sflag:s23] =	ssyncset.done $0x0  }
0xa4: {  	s25 =	simm.s32 $0x1B8E;
	s24 =	sld [smem:$0x3FFE];
	[sflag:s23] =	ssyncadd.s32 $0xFFFFFFFF  }
0xa5: {  	s26 =	simm.s32 $execute0_lowered;
	[smem:$0x3FD2] =	sst s25  }
0xa6: {  	s5 =	sshll.u32 s26, $0x1;
	_ =	strace $0x80000046;
	[dreg:$0x1] =	wrdreg $0xFFFFFFFF  }
0xa7: {  	s28 =	simm.s32 $_size_execute0_lowered;
	s3 =	sadd.s32 s3, s5;
	[dreg:$0x0] =	wrdreg $0x0  }
0xa8: {  	s5 =	sshll.u32 s28, $0x1;
	[dreg:$0x2] =	wrdreg s3  }
0xa9: {  	[dreg:$0x3] =	wrdreg s5  }
0xaa: {  	[dreg:$0x4] =	wrdreg $0xC0  }
0xab: {  	_ =	task [dreg:s7], $0x5FFFF  }
0xac: {  	[dreg:$0x1] =	wrdreg $0xFFFFFFFF  }
0xad: {  	[dreg:$0x0] =	wrdreg $0x60  }
0xae: {  	[dreg:$0x2] =	wrdreg s24  }
0xaf: {  	[dreg:$0x3] =	wrdreg s2  }
0xb0: {  	[dreg:$0x4] =	wrdreg $0x9  }
0xb1: {  	_ =	task.clear_ibuf [dreg:s7], $0x5FFFF;
	_ =	strace $0x90000046  }
0xb2: {  	s29 =	simm.s32 $0x9;
	_ =	strace $0x80000048  }
0xb3: {  	_ =	swait.ge [sflag:s29], $0x1  }
0xb4: {  	[sflag:s29] =	ssyncadd.s32 $0xFFFFFFFF  }
0xb5: {  	_ =	strace $0x90000048  }
0xb6: {  	_ =	sfence  }
0xb7: {  	s30 =	sld [smem:$0x0];
	_ =	sdelay $0x2  }
0xb8: {  	s31 =	sshll.u32 s1, $0xD;
	s1 =	sshrl.u32 s1, $0x2  }
0xb9: {  	s3 =	sand.u32 $0x4000, s31;
	s1 =	sadd.s32 s1, s30  }
0xba: {  	s0 =	sor.u32 s3, s0;
	s1 =	sshll.u32 s1, $0x11  }
0xbb: {  	s0 =	sor.u32 s1, s0  }
0xbc: {  	s0 =	sadd.s32 $0x8F2B, s0  }
0xbd: {  	[sflag:s0] =	ssyncadd.remote.s32 $0x1  }
0xbe: {  	_ =	sfence.sel $0xFFFF  }
0xbf: {  	[dreg:$0x0] =	wrdreg $0xFFFFFFFF;
	(pc) =	sbr.abs _section_cstart, $3  }
0xc0: {  	[dreg:$0x1] =	wrdreg $0xFFFFFFFF  }
0xc1: {  	_ =	task.clear_ibuf [dreg:s7], $0x2FFFF;
	_ =	strace $0x9FFFFFFF  }
0xc2: {  	(tm) =	ssettm $0x7FFFFFFF  }
0xc3: {  	_ =	shalt  }
tec
execute0_lowered:
.L_overlay_start_1:
0x0: {  	(tag) =	ssettag $0x1  }
0x1: {  	s0 =	srdreg.scid;
	s1 =	rddreg [dreg:$0x0]  }
0x2: {  	s5 =	rddreg [dreg:$0x1];
	s0 =	sand.u32 $0x1, s0  }
0x3: {  	s4 =	stileid.u32;
	s2 =	simm.s32 $0x0;
	s3 =	sshll.u32 s0, $0x4  }
0x4: {  	s7 =	simm.s32 $0x1;
	s10 =	simm.s32 $0x0;
	s6 =	sor.u32 s4, s3  }
0x5: {  	[smem:$0x7FF] =	sst s2;
	s0 =	ssub.s32 $0x2, s0;
	s3 =	smul.u32 $0x140, s6  }
0x6: {  	_ =	strace $0x80000047;
	s30 =	sshrl.u32 s0, $0x1;
	s31 =	sshll.u32 s6, $0xB  }
0x7: {  	s0 =	ssub.s32 s0, s30;
	s5 =	sadd.s32 s5, s31;
	s29 =	sadd.s32 s3, s1  }
0x8: {  	s6 =	smax.u32 s0, $0x1;
	s3 =	sadd.s32 $0xA00, s1;
	s4 =	sadd.s32 $0x2A00, s29  }
.LBB2_1:
0x9: {  	[tilespmem:s2], [sflag:$0x1] =	stream.linear.gather [hbm4b:s3+s2], $0xFA00, $0x38;
	[tilespmem:$0x14400] =	vst v63  }
0xa: {  	_ =	swait.ge [sflag:s7], $0xFA00  }
0xb: {  	[sflag:s7] =	ssyncset.done $0x0  }
0xc: {  	s0 =	simm.s32 $0xFA00;
	[sflag:s7] =	ssyncadd.s32 $0xFFFF0600  }
0xd: {  	[tilespmem:s0], [sflag:$0x1] =	stream.linear.gather [hbm4b:s4+s2], $0xA00, $0x38;
	[tilespmem:$0x14400] =	vst v63  }
0xe: {  	_ =	swait.ge [sflag:s7], $0xA00  }
0xf: {  	[sflag:s7] =	ssyncset.done $0x0  }
0x10: {  	s11 =	simm.s32 $0x18;
	[sflag:s7] =	ssyncadd.s32 $0xFFFFF600  }
0x11: {  	v0 =	vld [tilespmem:s11+$0xF9E8];
	_ =	sdelay $0x4  }
0x12: {  	v0 =	vshll.u32 v0, $0x6  }
0x13: {  	(v2sf) =	vpush v0, $0x0  }
0x14: {  	(v2sf) =	vpush v0, $0x1;
	_ =	sdelay $0x1  }
0x15: {  	(v2sf) =	vpush v0, $0x2;
	_ =	sdelay $0x1  }
0x16: {  	(v2sf) =	vpush v0, $0x3;
	_ =	sdelay $0x1  }
0x17: {  	(v2sf) =	vpush v0, $0x4;
	_ =	sdelay $0x1  }
0x18: {  	(v2sf) =	vpush v0, $0x5;
	_ =	sdelay $0x1  }
0x19: {  	(v2sf) =	vpush v0, $0x6;
	_ =	sdelay $0x1  }
0x1a: {  	(v2sf) =	vpush v0, $0x7;
	_ =	sdelay $0x1  }
0x1b: {  	(v2sf) =	vpush v0, $0x8;
	s31 =	spop (v2sf)  }
0x1c: {  	v1 =	vld [tilespmem:s31+$0x0];
	s1 =	spop (v2sf)  }
0x1d: {  	(v2sf) =	vpush v0, $0x9;
	v2 =	vld [tilespmem:s1+$0x0]  }
0x1e: {  	s8 =	spop (v2sf)  }
0x1f: {  	(v2sf) =	vpush v0, $0xA;
	v3 =	vld [tilespmem:s8+$0x0]  }
0x20: {  	s9 =	spop (v2sf)  }
0x21: {  	(v2sf) =	vpush v0, $0xB;
	v4 =	vld [tilespmem:s9+$0x0]  }
0x22: {  	s12 =	spop (v2sf);
	v1 =	vadd.f32 v2, v1  }
0x23: {  	(v2sf) =	vpush v0, $0xC;
	v2 =	vld [tilespmem:s12+$0x0]  }
0x24: {  	v5 =	vld [tilespmem:s11+$0xF9F8];
	s13 =	spop (v2sf);
	v1 =	vadd.f32 v3, v1  }
0x25: {  	(v2sf) =	vpush v0, $0xD;
	v3 =	vld [tilespmem:s13+$0x0]  }
0x26: {  	s14 =	spop (v2sf);
	v1 =	vadd.f32 v4, v1  }
0x27: {  	(v2sf) =	vpush v0, $0xE;
	v4 =	vld [tilespmem:s14+$0x0]  }
0x28: {  	s15 =	spop (v2sf);
	v1 =	vadd.f32 v2, v1  }
0x29: {  	(v2sf) =	vpush v0, $0xF;
	v2 =	vld [tilespmem:s15+$0x0]  }
0x2a: {  	v0 =	vshll.u32 v5, $0x6;
	s16 =	spop (v2sf);
	v1 =	vadd.f32 v3, v1  }
0x2b: {  	(v2sf) =	vpush v0, $0x0;
	v3 =	vld [tilespmem:s16+$0x0]  }
0x2c: {  	s17 =	spop (v2sf);
	v1 =	vadd.f32 v4, v1  }
0x2d: {  	(v2sf) =	vpush v0, $0x1;
	v4 =	vld [tilespmem:s17+$0x0]  }
0x2e: {  	s18 =	spop (v2sf);
	v1 =	vadd.f32 v2, v1  }
0x2f: {  	(v2sf) =	vpush v0, $0x2;
	v2 =	vld [tilespmem:s18+$0x0]  }
0x30: {  	s19 =	spop (v2sf);
	v1 =	vadd.f32 v3, v1  }
0x31: {  	(v2sf) =	vpush v0, $0x3;
	v3 =	vld [tilespmem:s19+$0x0]  }
0x32: {  	s20 =	spop (v2sf);
	v1 =	vadd.f32 v4, v1  }
0x33: {  	v4 =	vld [tilespmem:s20+$0x0]  }
0x34: {  	s21 =	spop (v2sf);
	v1 =	vadd.f32 v2, v1  }
0x35: {  	v2 =	vld [tilespmem:s21+$0x0]  }
0x36: {  	s22 =	spop (v2sf);
	v1 =	vadd.f32 v3, v1  }
0x37: {  	v3 =	vld [tilespmem:s22+$0x0]  }
0x38: {  	s26 =	spop (v2sf);
	v1 =	vadd.f32 v4, v1  }
0x39: {  	v4 =	vld [tilespmem:s26+$0x0]  }
0x3a: {  	s23 =	spop (v2sf);
	v1 =	vadd.f32 v2, v1  }
0x3b: {  	v2 =	vld [tilespmem:s23+$0x0]  }
0x3c: {  	s24 =	spop (v2sf);
	v1 =	vadd.f32 v3, v1  }
0x3d: {  	v3 =	vld [tilespmem:s24+$0x0]  }
0x3e: {  	s25 =	spop (v2sf);
	v1 =	vadd.f32 v4, v1  }
0x3f: {  	v4 =	vld [tilespmem:s25+$0x0]  }
0x40: {  	s28 =	spop (v2sf);
	v1 =	vadd.f32 v2, v1  }
0x41: {  	v2 =	vld [tilespmem:s28+$0x0]  }
0x42: {  	v1 =	vadd.f32 v3, v1;
	_ =	sdelay $0x1  }
0x43: {  	v1 =	vadd.f32 v4, v1;
	_ =	sdelay $0x1  }
0x44: {  	v2 =	vadd.f32 v2, v1  }
0x45: {  	v1 =	vld [tilespmem:s11+$0xFA00];
	s11 =	simm.s32 $0x10480  }
0x46: {  	[tilespmem:s11+$0xFFFFFF80] =	vst v2  }
0x47: {  	v2 =	vld [tilespmem:s31+$0x10]  }
0x48: {  	v3 =	vld [tilespmem:s1+$0x10];
	_ =	sdelay $0x1  }
0x49: {  	v4 =	vld [tilespmem:s8+$0x10];
	_ =	sdelay $0x1  }
0x4a: {  	v5 =	vld [tilespmem:s9+$0x10]  }
0x4b: {  	v2 =	vadd.f32 v3, v2  }
0x4c: {  	v3 =	vld [tilespmem:s12+$0x10]  }
0x4d: {  	v2 =	vadd.f32 v4, v2  }
0x4e: {  	v4 =	vld [tilespmem:s13+$0x10]  }
0x4f: {  	v2 =	vadd.f32 v5, v2  }
0x50: {  	v5 =	vld [tilespmem:s14+$0x10]  }
0x51: {  	v2 =	vadd.f32 v3, v2  }
0x52: {  	v3 =	vld [tilespmem:s15+$0x10]  }
0x53: {  	v2 =	vadd.f32 v4, v2  }
0x54: {  	v4 =	vld [tilespmem:s16+$0x10]  }
0x55: {  	v2 =	vadd.f32 v5, v2  }
0x56: {  	v5 =	vld [tilespmem:s17+$0x10]  }
0x57: {  	v2 =	vadd.f32 v3, v2  }
0x58: {  	v3 =	vld [tilespmem:s18+$0x10]  }
0x59: {  	v2 =	vadd.f32 v4, v2  }
0x5a: {  	v4 =	vld [tilespmem:s19+$0x10]  }
0x5b: {  	v2 =	vadd.f32 v5, v2  }
0x5c: {  	v5 =	vld [tilespmem:s20+$0x10]  }
0x5d: {  	v2 =	vadd.f32 v3, v2  }
0x5e: {  	v3 =	vld [tilespmem:s21+$0x10]  }
0x5f: {  	v2 =	vadd.f32 v4, v2  }
0x60: {  	v4 =	vld [tilespmem:s22+$0x10]  }
0x61: {  	v2 =	vadd.f32 v5, v2  }
0x62: {  	v5 =	vld [tilespmem:s26+$0x10]  }
0x63: {  	v2 =	vadd.f32 v3, v2  }
0x64: {  	v3 =	vld [tilespmem:s23+$0x10]  }
0x65: {  	v2 =	vadd.f32 v4, v2  }
0x66: {  	v4 =	vld [tilespmem:s24+$0x10]  }
0x67: {  	v2 =	vadd.f32 v5, v2  }
0x68: {  	v5 =	vld [tilespmem:s25+$0x10]  }
0x69: {  	v2 =	vadd.f32 v3, v2  }
0x6a: {  	v3 =	vld [tilespmem:s28+$0x10]  }
0x6b: {  	v2 =	vadd.f32 v4, v2;
	_ =	sdelay $0x1  }
0x6c: {  	v2 =	vadd.f32 v5, v2;
	_ =	sdelay $0x1  }
0x6d: {  	v2 =	vadd.f32 v3, v2;
	_ =	sdelay $0x1  }
0x6e: {  	[tilespmem:s11+$0xFFFFFF90] =	vst v2  }
0x6f: {  	v2 =	vld [tilespmem:s31+$0x20]  }
0x70: {  	v3 =	vld [tilespmem:s1+$0x20];
	_ =	sdelay $0x1  }
0x71: {  	v4 =	vld [tilespmem:s8+$0x20];
	_ =	sdelay $0x1  }
0x72: {  	v5 =	vld [tilespmem:s9+$0x20]  }
0x73: {  	v2 =	vadd.f32 v3, v2  }
0x74: {  	v3 =	vld [tilespmem:s12+$0x20]  }
0x75: {  	v2 =	vadd.f32 v4, v2  }
0x76: {  	v4 =	vld [tilespmem:s13+$0x20]  }
0x77: {  	v2 =	vadd.f32 v5, v2  }
0x78: {  	v5 =	vld [tilespmem:s14+$0x20]  }
0x79: {  	v2 =	vadd.f32 v3, v2  }
0x7a: {  	v3 =	vld [tilespmem:s15+$0x20]  }
0x7b: {  	v2 =	vadd.f32 v4, v2  }
0x7c: {  	v4 =	vld [tilespmem:s16+$0x20]  }
0x7d: {  	v2 =	vadd.f32 v5, v2  }
0x7e: {  	v5 =	vld [tilespmem:s17+$0x20]  }
0x7f: {  	v2 =	vadd.f32 v3, v2  }
0x80: {  	v3 =	vld [tilespmem:s18+$0x20]  }
0x81: {  	v2 =	vadd.f32 v4, v2  }
0x82: {  	v4 =	vld [tilespmem:s19+$0x20]  }
0x83: {  	v2 =	vadd.f32 v5, v2  }
0x84: {  	v5 =	vld [tilespmem:s20+$0x20]  }
0x85: {  	v2 =	vadd.f32 v3, v2  }
0x86: {  	v3 =	vld [tilespmem:s21+$0x20]  }
0x87: {  	v2 =	vadd.f32 v4, v2  }
0x88: {  	v4 =	vld [tilespmem:s22+$0x20]  }
0x89: {  	v2 =	vadd.f32 v5, v2  }
0x8a: {  	v5 =	vld [tilespmem:s26+$0x20]  }
0x8b: {  	v2 =	vadd.f32 v3, v2  }
0x8c: {  	v3 =	vld [tilespmem:s23+$0x20]  }
0x8d: {  	v2 =	vadd.f32 v4, v2  }
0x8e: {  	v4 =	vld [tilespmem:s24+$0x20]  }
0x8f: {  	v2 =	vadd.f32 v5, v2  }
0x90: {  	v5 =	vld [tilespmem:s25+$0x20]  }
0x91: {  	v2 =	vadd.f32 v3, v2  }
0x92: {  	v3 =	vld [tilespmem:s28+$0x20]  }
0x93: {  	v2 =	vadd.f32 v4, v2;
	_ =	sdelay $0x1  }
0x94: {  	v2 =	vadd.f32 v5, v2;
	_ =	sdelay $0x1  }
0x95: {  	v2 =	vadd.f32 v3, v2;
	_ =	sdelay $0x1  }
0x96: {  	[tilespmem:s11+$0xFFFFFFA0] =	vst v2  }
0x97: {  	v2 =	vld [tilespmem:s31+$0x30]  }
0x98: {  	v3 =	vld [tilespmem:s1+$0x30];
	_ =	sdelay $0x1  }
0x99: {  	v4 =	vld [tilespmem:s8+$0x30];
	_ =	sdelay $0x1  }
0x9a: {  	v5 =	vld [tilespmem:s9+$0x30]  }
0x9b: {  	v2 =	vadd.f32 v3, v2  }
0x9c: {  	v3 =	vld [tilespmem:s12+$0x30]  }
0x9d: {  	v2 =	vadd.f32 v4, v2  }
0x9e: {  	v4 =	vld [tilespmem:s13+$0x30]  }
0x9f: {  	v2 =	vadd.f32 v5, v2  }
0xa0: {  	v5 =	vld [tilespmem:s14+$0x30]  }
0xa1: {  	v2 =	vadd.f32 v3, v2  }
0xa2: {  	v3 =	vld [tilespmem:s15+$0x30]  }
0xa3: {  	v2 =	vadd.f32 v4, v2  }
0xa4: {  	v4 =	vld [tilespmem:s16+$0x30]  }
0xa5: {  	v2 =	vadd.f32 v5, v2  }
0xa6: {  	v5 =	vld [tilespmem:s17+$0x30]  }
0xa7: {  	v2 =	vadd.f32 v3, v2  }
0xa8: {  	v3 =	vld [tilespmem:s18+$0x30]  }
0xa9: {  	v2 =	vadd.f32 v4, v2  }
0xaa: {  	v4 =	vld [tilespmem:s19+$0x30]  }
0xab: {  	v2 =	vadd.f32 v5, v2  }
0xac: {  	v5 =	vld [tilespmem:s20+$0x30]  }
0xad: {  	v2 =	vadd.f32 v3, v2  }
0xae: {  	v3 =	vld [tilespmem:s21+$0x30]  }
0xaf: {  	v2 =	vadd.f32 v4, v2  }
0xb0: {  	v4 =	vld [tilespmem:s22+$0x30]  }
0xb1: {  	v2 =	vadd.f32 v5, v2  }
0xb2: {  	(v2sf) =	vpush v0, $0x4;
	v5 =	vld [tilespmem:s26+$0x30]  }
0xb3: {  	(v2sf) =	vpush v0, $0x5;
	v2 =	vadd.f32 v3, v2  }
0xb4: {  	v3 =	vld [tilespmem:s23+$0x30]  }
0xb5: {  	(v2sf) =	vpush v0, $0x6;
	v2 =	vadd.f32 v4, v2  }
0xb6: {  	v4 =	vld [tilespmem:s24+$0x30]  }
0xb7: {  	(v2sf) =	vpush v0, $0x7;
	v2 =	vadd.f32 v5, v2  }
0xb8: {  	v5 =	vld [tilespmem:s25+$0x30]  }
0xb9: {  	(v2sf) =	vpush v0, $0x8;
	v2 =	vadd.f32 v3, v2  }
0xba: {  	v3 =	vld [tilespmem:s28+$0x30]  }
0xbb: {  	(v2sf) =	vpush v0, $0x9;
	v2 =	vadd.f32 v4, v2;
	_ =	sdelay $0x1  }
0xbc: {  	(v2sf) =	vpush v0, $0xA;
	v2 =	vadd.f32 v5, v2;
	_ =	sdelay $0x1  }
0xbd: {  	(v2sf) =	vpush v0, $0xB;
	v2 =	vadd.f32 v3, v2;
	_ =	sdelay $0x1  }
0xbe: {  	s8 =	spop (v2sf);
	(v2sf) =	vpush v0, $0xC;
	[tilespmem:s11+$0xFFFFFFB0] =	vst v2  }
0xbf: {  	s9 =	spop (v2sf);
	v2 =	vld [tilespmem:s8+$0x0]  }
0xc0: {  	(v2sf) =	vpush v0, $0xD;
	v3 =	vld [tilespmem:s9+$0x0]  }
0xc1: {  	s12 =	spop (v2sf)  }
0xc2: {  	(v2sf) =	vpush v0, $0xE;
	v4 =	vld [tilespmem:s12+$0x0]  }
0xc3: {  	s13 =	spop (v2sf)  }
0xc4: {  	(v2sf) =	vpush v0, $0xF;
	v5 =	vld [tilespmem:s13+$0x0]  }
0xc5: {  	v0 =	vshll.u32 v1, $0x6;
	s14 =	spop (v2sf);
	v1 =	vadd.f32 v3, v2  }
0xc6: {  	(v2sf) =	vpush v0, $0x8;
	v2 =	vld [tilespmem:s14+$0x0]  }
0xc7: {  	s15 =	spop (v2sf);
	v1 =	vadd.f32 v4, v1  }
0xc8: {  	(v2sf) =	vpush v0, $0x9;
	v3 =	vld [tilespmem:s15+$0x0]  }
0xc9: {  	s16 =	spop (v2sf);
	v1 =	vadd.f32 v5, v1  }
0xca: {  	(v2sf) =	vpush v0, $0xA;
	v4 =	vld [tilespmem:s16+$0x0]  }
0xcb: {  	s17 =	spop (v2sf);
	v1 =	vadd.f32 v2, v1  }
0xcc: {  	(v2sf) =	vpush v0, $0xB;
	v2 =	vld [tilespmem:s17+$0x0]  }
0xcd: {  	s18 =	spop (v2sf);
	v1 =	vadd.f32 v3, v1  }
0xce: {  	(v2sf) =	vpush v0, $0xC;
	v3 =	vld [tilespmem:s18+$0x0]  }
0xcf: {  	s19 =	spop (v2sf);
	v1 =	vadd.f32 v4, v1  }
0xd0: {  	(v2sf) =	vpush v0, $0xD;
	v4 =	vld [tilespmem:s19+$0x0]  }
0xd1: {  	s20 =	spop (v2sf);
	v1 =	vadd.f32 v2, v1  }
0xd2: {  	(v2sf) =	vpush v0, $0xE;
	v2 =	vld [tilespmem:s20+$0x0]  }
0xd3: {  	s21 =	spop (v2sf);
	v1 =	vadd.f32 v3, v1  }
0xd4: {  	(v2sf) =	vpush v0, $0xF;
	v3 =	vld [tilespmem:s21+$0x0]  }
0xd5: {  	s22 =	spop (v2sf);
	v0 =	vadd.f32 v4, v1  }
0xd6: {  	v1 =	vld [tilespmem:s22+$0x0]  }
0xd7: {  	s23 =	spop (v2sf);
	v0 =	vadd.f32 v2, v0  }
0xd8: {  	v2 =	vld [tilespmem:s23+$0x0]  }
0xd9: {  	s24 =	spop (v2sf);
	v0 =	vadd.f32 v3, v0  }
0xda: {  	v3 =	vld [tilespmem:s24+$0x0]  }
0xdb: {  	s25 =	spop (v2sf);
	v0 =	vadd.f32 v1, v0  }
0xdc: {  	v1 =	vld [tilespmem:s25+$0x0]  }
0xdd: {  	s26 =	spop (v2sf);
	v0 =	vadd.f32 v2, v0  }
0xde: {  	v2 =	vld [tilespmem:s26+$0x0]  }
0xdf: {  	s29 =	spop (v2sf);
	v0 =	vadd.f32 v3, v0  }
0xe0: {  	v3 =	vld [tilespmem:s29+$0x0]  }
0xe1: {  	s30 =	spop (v2sf);
	v0 =	vadd.f32 v1, v0  }
0xe2: {  	v1 =	vld [tilespmem:s30+$0x0]  }
0xe3: {  	s31 =	spop (v2sf);
	v0 =	vadd.f32 v2, v0  }
0xe4: {  	v2 =	vld [tilespmem:s31+$0x0]  }
0xe5: {  	v0 =	vadd.f32 v3, v0;
	_ =	sdelay $0x1  }
0xe6: {  	v0 =	vadd.f32 v1, v0;
	_ =	sdelay $0x1  }
0xe7: {  	v0 =	vadd.f32 v2, v0;
	_ =	sdelay $0x1  }
0xe8: {  	[tilespmem:s11+$0x0] =	vst v0  }
0xe9: {  	v0 =	vld [tilespmem:s8+$0x10]  }
0xea: {  	v1 =	vld [tilespmem:s9+$0x10];
	_ =	sdelay $0x1  }
0xeb: {  	v2 =	vld [tilespmem:s12+$0x10];
	_ =	sdelay $0x1  }
0xec: {  	v3 =	vld [tilespmem:s13+$0x10]  }
0xed: {  	v0 =	vadd.f32 v1, v0  }
0xee: {  	v1 =	vld [tilespmem:s14+$0x10]  }
0xef: {  	v0 =	vadd.f32 v2, v0  }
0xf0: {  	v2 =	vld [tilespmem:s15+$0x10]  }
0xf1: {  	v0 =	vadd.f32 v3, v0  }
0xf2: {  	v3 =	vld [tilespmem:s16+$0x10]  }
0xf3: {  	v0 =	vadd.f32 v1, v0  }
0xf4: {  	v1 =	vld [tilespmem:s17+$0x10]  }
0xf5: {  	v0 =	vadd.f32 v2, v0  }
0xf6: {  	v2 =	vld [tilespmem:s18+$0x10]  }
0xf7: {  	v0 =	vadd.f32 v3, v0  }
0xf8: {  	v3 =	vld [tilespmem:s19+$0x10]  }
0xf9: {  	v0 =	vadd.f32 v1, v0  }
0xfa: {  	v1 =	vld [tilespmem:s20+$0x10]  }
0xfb: {  	v0 =	vadd.f32 v2, v0  }
0xfc: {  	v2 =	vld [tilespmem:s21+$0x10]  }
0xfd: {  	v0 =	vadd.f32 v3, v0  }
0xfe: {  	v3 =	vld [tilespmem:s22+$0x10]  }
0xff: {  	v0 =	vadd.f32 v1, v0  }
0x100: {  	v1 =	vld [tilespmem:s23+$0x10]  }
0x101: {  	v0 =	vadd.f32 v2, v0  }
0x102: {  	v2 =	vld [tilespmem:s24+$0x10]  }
0x103: {  	v0 =	vadd.f32 v3, v0  }
0x104: {  	v3 =	vld [tilespmem:s25+$0x10]  }
0x105: {  	v0 =	vadd.f32 v1, v0  }
0x106: {  	v1 =	vld [tilespmem:s26+$0x10]  }
0x107: {  	v0 =	vadd.f32 v2, v0  }
0x108: {  	v2 =	vld [tilespmem:s29+$0x10]  }
0x109: {  	v0 =	vadd.f32 v3, v0  }
0x10a: {  	v3 =	vld [tilespmem:s30+$0x10]  }
0x10b: {  	v0 =	vadd.f32 v1, v0  }
0x10c: {  	v1 =	vld [tilespmem:s31+$0x10]  }
0x10d: {  	v0 =	vadd.f32 v2, v0;
	_ =	sdelay $0x1  }
0x10e: {  	v0 =	vadd.f32 v3, v0;
	_ =	sdelay $0x1  }
0x10f: {  	v0 =	vadd.f32 v1, v0;
	_ =	sdelay $0x1  }
0x110: {  	[tilespmem:s11+$0x10] =	vst v0  }
0x111: {  	v0 =	vld [tilespmem:s8+$0x20]  }
0x112: {  	v1 =	vld [tilespmem:s9+$0x20];
	_ =	sdelay $0x1  }
0x113: {  	v2 =	vld [tilespmem:s12+$0x20];
	_ =	sdelay $0x1  }
0x114: {  	v3 =	vld [tilespmem:s13+$0x20]  }
0x115: {  	v0 =	vadd.f32 v1, v0  }
0x116: {  	v1 =	vld [tilespmem:s14+$0x20]  }
0x117: {  	v0 =	vadd.f32 v2, v0  }
0x118: {  	v2 =	vld [tilespmem:s15+$0x20]  }
0x119: {  	v0 =	vadd.f32 v3, v0  }
0x11a: {  	v3 =	vld [tilespmem:s16+$0x20]  }
0x11b: {  	v0 =	vadd.f32 v1, v0  }
0x11c: {  	v1 =	vld [tilespmem:s17+$0x20]  }
0x11d: {  	v0 =	vadd.f32 v2, v0  }
0x11e: {  	v2 =	vld [tilespmem:s18+$0x20]  }
0x11f: {  	v0 =	vadd.f32 v3, v0  }
0x120: {  	v3 =	vld [tilespmem:s19+$0x20]  }
0x121: {  	v0 =	vadd.f32 v1, v0  }
0x122: {  	v1 =	vld [tilespmem:s20+$0x20]  }
0x123: {  	v0 =	vadd.f32 v2, v0  }
0x124: {  	v2 =	vld [tilespmem:s21+$0x20]  }
0x125: {  	v0 =	vadd.f32 v3, v0  }
0x126: {  	v3 =	vld [tilespmem:s22+$0x20]  }
0x127: {  	v0 =	vadd.f32 v1, v0  }
0x128: {  	v1 =	vld [tilespmem:s23+$0x20]  }
0x129: {  	v0 =	vadd.f32 v2, v0  }
0x12a: {  	v2 =	vld [tilespmem:s24+$0x20]  }
0x12b: {  	v0 =	vadd.f32 v3, v0  }
0x12c: {  	v3 =	vld [tilespmem:s25+$0x20]  }
0x12d: {  	v0 =	vadd.f32 v1, v0  }
0x12e: {  	v1 =	vld [tilespmem:s26+$0x20]  }
0x12f: {  	v0 =	vadd.f32 v2, v0  }
0x130: {  	v2 =	vld [tilespmem:s29+$0x20]  }
0x131: {  	v0 =	vadd.f32 v3, v0  }
0x132: {  	v3 =	vld [tilespmem:s30+$0x20]  }
0x133: {  	v0 =	vadd.f32 v1, v0  }
0x134: {  	v1 =	vld [tilespmem:s31+$0x20]  }
0x135: {  	v0 =	vadd.f32 v2, v0;
	_ =	sdelay $0x1  }
0x136: {  	v0 =	vadd.f32 v3, v0;
	_ =	sdelay $0x1  }
0x137: {  	v0 =	vadd.f32 v1, v0;
	_ =	sdelay $0x1  }
0x138: {  	[tilespmem:s11+$0x20] =	vst v0  }
0x139: {  	v0 =	vld [tilespmem:s8+$0x30]  }
0x13a: {  	v1 =	vld [tilespmem:s9+$0x30];
	_ =	sdelay $0x1  }
0x13b: {  	v2 =	vld [tilespmem:s12+$0x30];
	_ =	sdelay $0x1  }
0x13c: {  	v3 =	vld [tilespmem:s13+$0x30]  }
0x13d: {  	v0 =	vadd.f32 v1, v0  }
0x13e: {  	v1 =	vld [tilespmem:s14+$0x30]  }
0x13f: {  	v0 =	vadd.f32 v2, v0  }
0x140: {  	v2 =	vld [tilespmem:s15+$0x30]  }
0x141: {  	v0 =	vadd.f32 v3, v0  }
0x142: {  	v3 =	vld [tilespmem:s16+$0x30]  }
0x143: {  	v0 =	vadd.f32 v1, v0  }
0x144: {  	v1 =	vld [tilespmem:s17+$0x30]  }
0x145: {  	v0 =	vadd.f32 v2, v0  }
0x146: {  	v2 =	vld [tilespmem:s18+$0x30]  }
0x147: {  	v0 =	vadd.f32 v3, v0  }
0x148: {  	v3 =	vld [tilespmem:s19+$0x30]  }
0x149: {  	v0 =	vadd.f32 v1, v0  }
0x14a: {  	v1 =	vld [tilespmem:s20+$0x30]  }
0x14b: {  	v0 =	vadd.f32 v2, v0  }
0x14c: {  	v2 =	vld [tilespmem:s21+$0x30]  }
0x14d: {  	v0 =	vadd.f32 v3, v0  }
0x14e: {  	v3 =	vld [tilespmem:s22+$0x30]  }
0x14f: {  	v0 =	vadd.f32 v1, v0  }
0x150: {  	v1 =	vld [tilespmem:s23+$0x30]  }
0x151: {  	v0 =	vadd.f32 v2, v0  }
0x152: {  	v2 =	vld [tilespmem:s24+$0x30]  }
0x153: {  	v0 =	vadd.f32 v3, v0  }
0x154: {  	v4 =	vld [tilespmem:s25+$0x30]  }
0x155: {  	v3 =	vadd.f32 v1, v0  }
0x156: {  	v1 =	vld [tilespmem:s26+$0x30]  }
0x157: {  	v0 =	vld [tilespmem:s29+$0x30];
	v5 =	vadd.f32 v2, v3  }
0x158: {  	v2 =	vld [tilespmem:s30+$0x30]  }
0x159: {  	s13 =	simm.s32 $0x100;
	s12 =	simm.s32 $0x10480;
	v3 =	vld [tilespmem:s31+$0x30];
	v4 =	vadd.f32 v4, v5  }
.LBB2_2:
0x15a: {  	p0 =	sne.s32 s13, $0x27C0  }
0x15b: {  	s11 =	sadd.s32 $0x100, s11;
	s0 =	smov.u32 s13;
	s13 =	sadd.s32 $0xA0, s13  }
0x15c: {  	v1 =	vadd.f32 v1, v4;
	_ =	sdelay $0x1  }
0x15d: {  	v0 =	vadd.f32 v0, v1;
	_ =	sdelay $0x1  }
0x15e: {  	v0 =	vadd.f32 v2, v0;
	_ =	sdelay $0x1  }
0x15f: {  	v0 =	vadd.f32 v3, v0  }
0x160: {  	s9 =	sshra.s32 s0, $0x2  }
0x161: {  	[tilespmem:s12+$0x30] =	vst v0;
	s12 =	smov.u32 s11  }
0x162: {  	v0 =	vld [tilespmem:s9+$0xF9E8];
	_ =	sdelay $0x4  }
0x163: {  	v0 =	vshll.u32 v0, $0x6  }
0x164: {  	(v2sf) =	vpush v0, $0x0  }
0x165: {  	(v2sf) =	vpush v0, $0x1  }
0x166: {  	(v2sf) =	vpush v0, $0x2  }
0x167: {  	(v2sf) =	vpush v0, $0x3  }
0x168: {  	(v2sf) =	vpush v0, $0x4  }
0x169: {  	(v2sf) =	vpush v0, $0x5  }
0x16a: {  	(v2sf) =	vpush v0, $0x6  }
0x16b: {  	(v2sf) =	vpush v0, $0x7  }
0x16c: {  	(v2sf) =	vpush v0, $0x8  }
0x16d: {  	(v2sf) =	vpush v0, $0x9  }
0x16e: {  	(v2sf) =	vpush v0, $0xA  }
0x16f: {  	(v2sf) =	vpush v0, $0xB  }
0x170: {  	(v2sf) =	vpush v0, $0xC  }
0x171: {  	(v2sf) =	vpush v0, $0xD  }
0x172: {  	(v2sf) =	vpush v0, $0xE  }
0x173: {  	s25 =	spop (v2sf);
	(v2sf) =	vpush v0, $0xF  }
0x174: {  	v0 =	vld [tilespmem:s25+$0x0];
	s29 =	spop (v2sf)  }
0x175: {  	v1 =	vld [tilespmem:s29+$0x0];
	s30 =	spop (v2sf)  }
0x176: {  	s28 =	spop (v2sf)  }
0x177: {  	v2 =	vld [tilespmem:s30+$0x0];
	s26 =	spop (v2sf)  }
0x178: {  	s24 =	spop (v2sf)  }
0x179: {  	v3 =	vld [tilespmem:s28+$0x0];
	s23 =	spop (v2sf)  }
0x17a: {  	v0 =	vadd.f32 v1, v0;
	s22 =	spop (v2sf)  }
0x17b: {  	v1 =	vld [tilespmem:s26+$0x0];
	s20 =	spop (v2sf)  }
0x17c: {  	v4 =	vld [tilespmem:s9+$0xF9F8];
	v0 =	vadd.f32 v2, v0;
	s21 =	spop (v2sf)  }
0x17d: {  	v2 =	vld [tilespmem:s24+$0x0];
	s19 =	spop (v2sf)  }
0x17e: {  	v0 =	vadd.f32 v3, v0;
	s18 =	spop (v2sf)  }
0x17f: {  	v3 =	vld [tilespmem:s23+$0x0];
	s17 =	spop (v2sf)  }
0x180: {  	v1 =	vadd.f32 v1, v0;
	s15 =	spop (v2sf)  }
0x181: {  	v0 =	vshll.u32 v4, $0x6;
	v4 =	vld [tilespmem:s22+$0x0];
	s16 =	spop (v2sf)  }
0x182: {  	v1 =	vadd.f32 v2, v1;
	s14 =	spop (v2sf);
	(v2sf) =	vpush v0, $0x0  }
0x183: {  	v2 =	vld [tilespmem:s20+$0x0];
	(v2sf) =	vpush v0, $0x1  }
0x184: {  	v1 =	vadd.f32 v3, v1;
	(v2sf) =	vpush v0, $0x2  }
0x185: {  	v3 =	vld [tilespmem:s21+$0x0]  }
0x186: {  	v1 =	vadd.f32 v4, v1  }
0x187: {  	v4 =	vld [tilespmem:s19+$0x0]  }
0x188: {  	v1 =	vadd.f32 v2, v1  }
0x189: {  	v2 =	vld [tilespmem:s18+$0x0];
	(v2sf) =	vpush v0, $0x3  }
0x18a: {  	v1 =	vadd.f32 v3, v1  }
0x18b: {  	v3 =	vld [tilespmem:s17+$0x0]  }
0x18c: {  	v1 =	vadd.f32 v4, v1  }
0x18d: {  	v4 =	vld [tilespmem:s15+$0x0]  }
0x18e: {  	v1 =	vadd.f32 v2, v1  }
0x18f: {  	v2 =	vld [tilespmem:s16+$0x0]  }
0x190: {  	v1 =	vadd.f32 v3, v1  }
0x191: {  	v3 =	vld [tilespmem:s14+$0x0];
	s1 =	spop (v2sf)  }
0x192: {  	v1 =	vadd.f32 v4, v1;
	s0 =	spop (v2sf)  }
0x193: {  	v4 =	vld [tilespmem:s1+$0x0];
	s31 =	spop (v2sf)  }
0x194: {  	v1 =	vadd.f32 v2, v1  }
0x195: {  	v2 =	vld [tilespmem:s0+$0x0]  }
0x196: {  	v1 =	vadd.f32 v3, v1  }
0x197: {  	v3 =	vld [tilespmem:s31+$0x0]  }
0x198: {  	v1 =	vadd.f32 v4, v1;
	s8 =	spop (v2sf)  }
0x199: {  	v4 =	vld [tilespmem:s8+$0x0]  }
0x19a: {  	v1 =	vadd.f32 v2, v1;
	_ =	sdelay $0x1  }
0x19b: {  	v1 =	vadd.f32 v3, v1;
	_ =	sdelay $0x1  }
0x19c: {  	v2 =	vadd.f32 v4, v1  }
0x19d: {  	v1 =	vld [tilespmem:s9+$0xFA00]  }
0x19e: {  	[tilespmem:s11+$0xFFFFFF80] =	vst v2  }
0x19f: {  	v2 =	vld [tilespmem:s25+$0x10]  }
0x1a0: {  	v3 =	vld [tilespmem:s29+$0x10];
	_ =	sdelay $0x1  }
0x1a1: {  	v4 =	vld [tilespmem:s30+$0x10];
	_ =	sdelay $0x1  }
0x1a2: {  	v5 =	vld [tilespmem:s28+$0x10]  }
0x1a3: {  	v2 =	vadd.f32 v3, v2  }
0x1a4: {  	v3 =	vld [tilespmem:s26+$0x10]  }
0x1a5: {  	v2 =	vadd.f32 v4, v2  }
0x1a6: {  	v4 =	vld [tilespmem:s24+$0x10]  }
0x1a7: {  	v2 =	vadd.f32 v5, v2  }
0x1a8: {  	v5 =	vld [tilespmem:s23+$0x10]  }
0x1a9: {  	v2 =	vadd.f32 v3, v2  }
0x1aa: {  	v3 =	vld [tilespmem:s22+$0x10]  }
0x1ab: {  	v2 =	vadd.f32 v4, v2  }
0x1ac: {  	v4 =	vld [tilespmem:s20+$0x10]  }
0x1ad: {  	v2 =	vadd.f32 v5, v2  }
0x1ae: {  	v5 =	vld [tilespmem:s21+$0x10]  }
0x1af: {  	v2 =	vadd.f32 v3, v2  }
0x1b0: {  	v3 =	vld [tilespmem:s19+$0x10]  }
0x1b1: {  	v2 =	vadd.f32 v4, v2  }
0x1b2: {  	v4 =	vld [tilespmem:s18+$0x10]  }
0x1b3: {  	v2 =	vadd.f32 v5, v2  }
0x1b4: {  	v5 =	vld [tilespmem:s17+$0x10]  }
0x1b5: {  	v2 =	vadd.f32 v3, v2  }
0x1b6: {  	v3 =	vld [tilespmem:s15+$0x10]  }
0x1b7: {  	v2 =	vadd.f32 v4, v2  }
0x1b8: {  	v4 =	vld [tilespmem:s16+$0x10]  }
0x1b9: {  	v2 =	vadd.f32 v5, v2  }
0x1ba: {  	v5 =	vld [tilespmem:s14+$0x10]  }
0x1bb: {  	v2 =	vadd.f32 v3, v2  }
0x1bc: {  	v3 =	vld [tilespmem:s1+$0x10]  }
0x1bd: {  	v2 =	vadd.f32 v4, v2  }
0x1be: {  	v4 =	vld [tilespmem:s0+$0x10]  }
0x1bf: {  	v2 =	vadd.f32 v5, v2  }
0x1c0: {  	v5 =	vld [tilespmem:s31+$0x10]  }
0x1c1: {  	v2 =	vadd.f32 v3, v2  }
0x1c2: {  	v3 =	vld [tilespmem:s8+$0x10]  }
0x1c3: {  	v2 =	vadd.f32 v4, v2;
	_ =	sdelay $0x1  }
0x1c4: {  	v2 =	vadd.f32 v5, v2;
	_ =	sdelay $0x1  }
0x1c5: {  	v2 =	vadd.f32 v3, v2;
	_ =	sdelay $0x1  }
0x1c6: {  	[tilespmem:s11+$0xFFFFFF90] =	vst v2  }
0x1c7: {  	v2 =	vld [tilespmem:s25+$0x20]  }
0x1c8: {  	v3 =	vld [tilespmem:s29+$0x20];
	_ =	sdelay $0x1  }
0x1c9: {  	v4 =	vld [tilespmem:s30+$0x20];
	_ =	sdelay $0x1  }
0x1ca: {  	v5 =	vld [tilespmem:s28+$0x20]  }
0x1cb: {  	v2 =	vadd.f32 v3, v2  }
0x1cc: {  	v3 =	vld [tilespmem:s26+$0x20]  }
0x1cd: {  	v2 =	vadd.f32 v4, v2  }
0x1ce: {  	v4 =	vld [tilespmem:s24+$0x20]  }
0x1cf: {  	v2 =	vadd.f32 v5, v2  }
0x1d0: {  	v5 =	vld [tilespmem:s23+$0x20]  }
0x1d1: {  	v2 =	vadd.f32 v3, v2  }
0x1d2: {  	v3 =	vld [tilespmem:s22+$0x20]  }
0x1d3: {  	v2 =	vadd.f32 v4, v2  }
0x1d4: {  	v4 =	vld [tilespmem:s20+$0x20]  }
0x1d5: {  	v2 =	vadd.f32 v5, v2  }
0x1d6: {  	v5 =	vld [tilespmem:s21+$0x20]  }
0x1d7: {  	v2 =	vadd.f32 v3, v2  }
0x1d8: {  	v3 =	vld [tilespmem:s19+$0x20]  }
0x1d9: {  	v2 =	vadd.f32 v4, v2  }
0x1da: {  	v4 =	vld [tilespmem:s18+$0x20]  }
0x1db: {  	v2 =	vadd.f32 v5, v2  }
0x1dc: {  	v5 =	vld [tilespmem:s17+$0x20]  }
0x1dd: {  	v2 =	vadd.f32 v3, v2  }
0x1de: {  	v3 =	vld [tilespmem:s15+$0x20]  }
0x1df: {  	v2 =	vadd.f32 v4, v2  }
0x1e0: {  	v4 =	vld [tilespmem:s16+$0x20]  }
0x1e1: {  	v2 =	vadd.f32 v5, v2  }
0x1e2: {  	v5 =	vld [tilespmem:s14+$0x20]  }
0x1e3: {  	v2 =	vadd.f32 v3, v2  }
0x1e4: {  	v3 =	vld [tilespmem:s1+$0x20]  }
0x1e5: {  	v2 =	vadd.f32 v4, v2  }
0x1e6: {  	v4 =	vld [tilespmem:s0+$0x20]  }
0x1e7: {  	v2 =	vadd.f32 v5, v2  }
0x1e8: {  	v5 =	vld [tilespmem:s31+$0x20]  }
0x1e9: {  	v2 =	vadd.f32 v3, v2  }
0x1ea: {  	v3 =	vld [tilespmem:s8+$0x20]  }
0x1eb: {  	v2 =	vadd.f32 v4, v2;
	_ =	sdelay $0x1  }
0x1ec: {  	v2 =	vadd.f32 v5, v2;
	_ =	sdelay $0x1  }
0x1ed: {  	v2 =	vadd.f32 v3, v2;
	_ =	sdelay $0x1  }
0x1ee: {  	[tilespmem:s11+$0xFFFFFFA0] =	vst v2  }
0x1ef: {  	v2 =	vld [tilespmem:s25+$0x30]  }
0x1f0: {  	v3 =	vld [tilespmem:s29+$0x30]  }
0x1f1: {  	v4 =	vld [tilespmem:s30+$0x30];
	_ =	sdelay $0x2  }
0x1f2: {  	v5 =	vld [tilespmem:s28+$0x30]  }
0x1f3: {  	v2 =	vadd.f32 v3, v2  }
0x1f4: {  	v3 =	vld [tilespmem:s26+$0x30]  }
0x1f5: {  	v2 =	vadd.f32 v4, v2  }
0x1f6: {  	v4 =	vld [tilespmem:s24+$0x30]  }
0x1f7: {  	v2 =	vadd.f32 v5, v2  }
0x1f8: {  	v5 =	vld [tilespmem:s23+$0x30]  }
0x1f9: {  	v2 =	vadd.f32 v3, v2  }
0x1fa: {  	v3 =	vld [tilespmem:s22+$0x30]  }
0x1fb: {  	v2 =	vadd.f32 v4, v2  }
0x1fc: {  	v4 =	vld [tilespmem:s20+$0x30]  }
0x1fd: {  	v2 =	vadd.f32 v5, v2  }
0x1fe: {  	v5 =	vld [tilespmem:s21+$0x30]  }
0x1ff: {  	v2 =	vadd.f32 v3, v2  }
0x200: {  	v3 =	vld [tilespmem:s19+$0x30]  }
0x201: {  	v2 =	vadd.f32 v4, v2  }
0x202: {  	v4 =	vld [tilespmem:s18+$0x30]  }
0x203: {  	v2 =	vadd.f32 v5, v2  }
0x204: {  	v5 =	vld [tilespmem:s17+$0x30]  }
0x205: {  	v2 =	vadd.f32 v3, v2  }
0x206: {  	v3 =	vld [tilespmem:s15+$0x30]  }
0x207: {  	v2 =	vadd.f32 v4, v2  }
0x208: {  	v4 =	vld [tilespmem:s16+$0x30]  }
0x209: {  	v2 =	vadd.f32 v5, v2  }
0x20a: {  	v5 =	vld [tilespmem:s14+$0x30];
	(v2sf) =	vpush v0, $0x4  }
0x20b: {  	v2 =	vadd.f32 v3, v2;
	(v2sf) =	vpush v0, $0x5  }
0x20c: {  	v3 =	vld [tilespmem:s1+$0x30]  }
0x20d: {  	v2 =	vadd.f32 v4, v2;
	(v2sf) =	vpush v0, $0x6  }
0x20e: {  	v4 =	vld [tilespmem:s0+$0x30]  }
0x20f: {  	v2 =	vadd.f32 v5, v2;
	(v2sf) =	vpush v0, $0x7  }
0x210: {  	v5 =	vld [tilespmem:s31+$0x30]  }
0x211: {  	v2 =	vadd.f32 v3, v2;
	(v2sf) =	vpush v0, $0x8  }
0x212: {  	v3 =	vld [tilespmem:s8+$0x30]  }
0x213: {  	v2 =	vadd.f32 v4, v2;
	(v2sf) =	vpush v0, $0x9;
	_ =	sdelay $0x1  }
0x214: {  	v2 =	vadd.f32 v5, v2;
	(v2sf) =	vpush v0, $0xA;
	_ =	sdelay $0x1  }
0x215: {  	v2 =	vadd.f32 v3, v2;
	(v2sf) =	vpush v0, $0xB;
	_ =	sdelay $0x1  }
0x216: {  	[tilespmem:s11+$0xFFFFFFB0] =	vst v2;
	s14 =	spop (v2sf);
	(v2sf) =	vpush v0, $0xC  }
0x217: {  	v2 =	vld [tilespmem:s14+$0x0];
	s15 =	spop (v2sf)  }
0x218: {  	v3 =	vld [tilespmem:s15+$0x0];
	(v2sf) =	vpush v0, $0xD  }
0x219: {  	s16 =	spop (v2sf)  }
0x21a: {  	v4 =	vld [tilespmem:s16+$0x0];
	(v2sf) =	vpush v0, $0xE  }
0x21b: {  	s17 =	spop (v2sf)  }
0x21c: {  	v5 =	vld [tilespmem:s17+$0x0];
	(v2sf) =	vpush v0, $0xF  }
0x21d: {  	v0 =	vshll.u32 v1, $0x6;
	v1 =	vadd.f32 v3, v2;
	s18 =	spop (v2sf)  }
0x21e: {  	v2 =	vld [tilespmem:s18+$0x0];
	(v2sf) =	vpush v0, $0x8  }
0x21f: {  	v1 =	vadd.f32 v4, v1;
	s19 =	spop (v2sf)  }
0x220: {  	v3 =	vld [tilespmem:s19+$0x0];
	(v2sf) =	vpush v0, $0x9  }
0x221: {  	v1 =	vadd.f32 v5, v1;
	s20 =	spop (v2sf)  }
0x222: {  	v4 =	vld [tilespmem:s20+$0x0];
	(v2sf) =	vpush v0, $0xA  }
0x223: {  	v1 =	vadd.f32 v2, v1;
	s0 =	spop (v2sf)  }
0x224: {  	v2 =	vld [tilespmem:s0+$0x0];
	(v2sf) =	vpush v0, $0xB  }
0x225: {  	v1 =	vadd.f32 v3, v1;
	s1 =	spop (v2sf)  }
0x226: {  	v3 =	vld [tilespmem:s1+$0x0];
	(v2sf) =	vpush v0, $0xC  }
0x227: {  	v1 =	vadd.f32 v4, v1;
	s8 =	spop (v2sf)  }
0x228: {  	v4 =	vld [tilespmem:s8+$0x0];
	(v2sf) =	vpush v0, $0xD  }
0x229: {  	v1 =	vadd.f32 v2, v1;
	s21 =	spop (v2sf)  }
0x22a: {  	v2 =	vld [tilespmem:s21+$0x0];
	(v2sf) =	vpush v0, $0xE  }
0x22b: {  	v1 =	vadd.f32 v3, v1;
	s22 =	spop (v2sf)  }
0x22c: {  	v3 =	vld [tilespmem:s22+$0x0];
	(v2sf) =	vpush v0, $0xF  }
0x22d: {  	v0 =	vadd.f32 v4, v1;
	s23 =	spop (v2sf)  }
0x22e: {  	v1 =	vld [tilespmem:s23+$0x0]  }
0x22f: {  	v0 =	vadd.f32 v2, v0;
	s24 =	spop (v2sf)  }
0x230: {  	v2 =	vld [tilespmem:s24+$0x0]  }
0x231: {  	v0 =	vadd.f32 v3, v0;
	s25 =	spop (v2sf)  }
0x232: {  	v3 =	vld [tilespmem:s25+$0x0]  }
0x233: {  	v0 =	vadd.f32 v1, v0;
	s26 =	spop (v2sf)  }
0x234: {  	v1 =	vld [tilespmem:s26+$0x0]  }
0x235: {  	v0 =	vadd.f32 v2, v0;
	s28 =	spop (v2sf)  }
0x236: {  	v2 =	vld [tilespmem:s28+$0x0]  }
0x237: {  	v0 =	vadd.f32 v3, v0;
	s29 =	spop (v2sf)  }
0x238: {  	v3 =	vld [tilespmem:s29+$0x0]  }
0x239: {  	v0 =	vadd.f32 v1, v0;
	s30 =	spop (v2sf)  }
0x23a: {  	v1 =	vld [tilespmem:s30+$0x0]  }
0x23b: {  	v0 =	vadd.f32 v2, v0;
	s31 =	spop (v2sf)  }
0x23c: {  	v2 =	vld [tilespmem:s31+$0x0]  }
0x23d: {  	v0 =	vadd.f32 v3, v0;
	_ =	sdelay $0x1  }
0x23e: {  	v0 =	vadd.f32 v1, v0;
	_ =	sdelay $0x1  }
0x23f: {  	v0 =	vadd.f32 v2, v0;
	_ =	sdelay $0x1  }
0x240: {  	[tilespmem:s11+$0x0] =	vst v0  }
0x241: {  	v0 =	vld [tilespmem:s14+$0x10]  }
0x242: {  	v1 =	vld [tilespmem:s15+$0x10]  }
0x243: {  	v2 =	vld [tilespmem:s16+$0x10]  }
0x244: {  	v3 =	vld [tilespmem:s17+$0x10]  }
0x245: {  	v4 =	vld [tilespmem:s18+$0x10]  }
0x246: {  	v5 =	vld [tilespmem:s19+$0x10]  }
0x247: {  	v0 =	vadd.f32 v1, v0;
	v1 =	vld [tilespmem:s20+$0x10]  }
0x248: {  	v6 =	vld [tilespmem:s0+$0x10]  }
0x249: {  	v0 =	vadd.f32 v2, v0;
	v2 =	vld [tilespmem:s1+$0x10]  }
0x24a: {  	v7 =	vld [tilespmem:s8+$0x10]  }
0x24b: {  	v0 =	vadd.f32 v3, v0;
	v3 =	vld [tilespmem:s21+$0x10]  }
0x24c: {  	v8 =	vld [tilespmem:s22+$0x10]  }
0x24d: {  	v0 =	vadd.f32 v4, v0;
	v4 =	vld [tilespmem:s23+$0x10]  }
0x24e: {  	v9 =	vld [tilespmem:s24+$0x10]  }
0x24f: {  	v0 =	vadd.f32 v5, v0;
	v5 =	vld [tilespmem:s25+$0x10]  }
0x250: {  	v10 =	vld [tilespmem:s26+$0x10]  }
0x251: {  	v0 =	vadd.f32 v1, v0;
	v1 =	vld [tilespmem:s28+$0x10]  }
0x252: {  	v11 =	vld [tilespmem:s29+$0x10]  }
0x253: {  	v0 =	vadd.f32 v6, v0;
	v6 =	vld [tilespmem:s30+$0x10]  }
0x254: {  	v12 =	vld [tilespmem:s31+$0x10]  }
0x255: {  	v0 =	vadd.f32 v2, v0;
	_ =	sdelay $0x1  }
0x256: {  	v0 =	vadd.f32 v7, v0;
	_ =	sdelay $0x1  }
0x257: {  	v0 =	vadd.f32 v3, v0;
	_ =	sdelay $0x1  }
0x258: {  	v0 =	vadd.f32 v8, v0;
	_ =	sdelay $0x1  }
0x259: {  	v0 =	vadd.f32 v4, v0;
	_ =	sdelay $0x1  }
0x25a: {  	v0 =	vadd.f32 v9, v0;
	_ =	sdelay $0x1  }
0x25b: {  	v0 =	vadd.f32 v5, v0;
	_ =	sdelay $0x1  }
0x25c: {  	v0 =	vadd.f32 v10, v0;
	_ =	sdelay $0x1  }
0x25d: {  	v0 =	vadd.f32 v1, v0;
	_ =	sdelay $0x1  }
0x25e: {  	v0 =	vadd.f32 v11, v0;
	_ =	sdelay $0x1  }
0x25f: {  	v0 =	vadd.f32 v6, v0;
	_ =	sdelay $0x1  }
0x260: {  	v0 =	vadd.f32 v12, v0;
	_ =	sdelay $0x1  }
0x261: {  	[tilespmem:s11+$0x10] =	vst v0  }
0x262: {  	v0 =	vld [tilespmem:s14+$0x20]  }
0x263: {  	v1 =	vld [tilespmem:s15+$0x20]  }
0x264: {  	v2 =	vld [tilespmem:s16+$0x20]  }
0x265: {  	v3 =	vld [tilespmem:s17+$0x20]  }
0x266: {  	v4 =	vld [tilespmem:s18+$0x20]  }
0x267: {  	v5 =	vld [tilespmem:s19+$0x20]  }
0x268: {  	v0 =	vadd.f32 v1, v0;
	v1 =	vld [tilespmem:s20+$0x20]  }
0x269: {  	v6 =	vld [tilespmem:s0+$0x20]  }
0x26a: {  	v0 =	vadd.f32 v2, v0;
	v2 =	vld [tilespmem:s1+$0x20]  }
0x26b: {  	v7 =	vld [tilespmem:s8+$0x20]  }
0x26c: {  	v0 =	vadd.f32 v3, v0;
	v3 =	vld [tilespmem:s21+$0x20]  }
0x26d: {  	v8 =	vld [tilespmem:s22+$0x20]  }
0x26e: {  	v0 =	vadd.f32 v4, v0;
	v4 =	vld [tilespmem:s23+$0x20]  }
0x26f: {  	v9 =	vld [tilespmem:s24+$0x20]  }
0x270: {  	v0 =	vadd.f32 v5, v0;
	v5 =	vld [tilespmem:s25+$0x20]  }
0x271: {  	v10 =	vld [tilespmem:s26+$0x20]  }
0x272: {  	v0 =	vadd.f32 v1, v0;
	v1 =	vld [tilespmem:s28+$0x20]  }
0x273: {  	v11 =	vld [tilespmem:s29+$0x20]  }
0x274: {  	v0 =	vadd.f32 v6, v0;
	v6 =	vld [tilespmem:s30+$0x20]  }
0x275: {  	v12 =	vld [tilespmem:s31+$0x20]  }
0x276: {  	v0 =	vadd.f32 v2, v0;
	_ =	sdelay $0x1  }
0x277: {  	v0 =	vadd.f32 v7, v0;
	_ =	sdelay $0x1  }
0x278: {  	v0 =	vadd.f32 v3, v0;
	_ =	sdelay $0x1  }
0x279: {  	v0 =	vadd.f32 v8, v0;
	_ =	sdelay $0x1  }
0x27a: {  	v0 =	vadd.f32 v4, v0;
	_ =	sdelay $0x1  }
0x27b: {  	v0 =	vadd.f32 v9, v0;
	_ =	sdelay $0x1  }
0x27c: {  	v0 =	vadd.f32 v5, v0;
	_ =	sdelay $0x1  }
0x27d: {  	v0 =	vadd.f32 v10, v0;
	_ =	sdelay $0x1  }
0x27e: {  	v0 =	vadd.f32 v1, v0;
	_ =	sdelay $0x1  }
0x27f: {  	v0 =	vadd.f32 v11, v0;
	_ =	sdelay $0x1  }
0x280: {  	v0 =	vadd.f32 v6, v0;
	_ =	sdelay $0x1  }
0x281: {  	v0 =	vadd.f32 v12, v0;
	_ =	sdelay $0x1  }
0x282: {  	[tilespmem:s11+$0x20] =	vst v0  }
0x283: {  	v0 =	vld [tilespmem:s14+$0x30]  }
0x284: {  	v1 =	vld [tilespmem:s15+$0x30]  }
0x285: {  	v2 =	vld [tilespmem:s16+$0x30]  }
0x286: {  	v3 =	vld [tilespmem:s17+$0x30]  }
0x287: {  	v4 =	vld [tilespmem:s18+$0x30]  }
0x288: {  	v5 =	vld [tilespmem:s19+$0x30]  }
0x289: {  	v0 =	vadd.f32 v1, v0;
	v1 =	vld [tilespmem:s20+$0x30]  }
0x28a: {  	v6 =	vld [tilespmem:s0+$0x30]  }
0x28b: {  	v0 =	vadd.f32 v2, v0;
	v7 =	vld [tilespmem:s1+$0x30]  }
0x28c: {  	v8 =	vld [tilespmem:s8+$0x30]  }
0x28d: {  	v0 =	vadd.f32 v3, v0;
	v9 =	vld [tilespmem:s21+$0x30]  }
0x28e: {  	v10 =	vld [tilespmem:s22+$0x30]  }
0x28f: {  	v0 =	vadd.f32 v4, v0;
	v4 =	vld [tilespmem:s23+$0x30]  }
0x290: {  	v11 =	vld [tilespmem:s24+$0x30]  }
0x291: {  	v0 =	vadd.f32 v5, v0;
	v5 =	vld [tilespmem:s25+$0x30]  }
0x292: {  	v12 =	vld [tilespmem:s26+$0x30]  }
0x293: {  	v2 =	vadd.f32 v1, v0;
	v1 =	vld [tilespmem:s28+$0x30]  }
0x294: {  	v0 =	vld [tilespmem:s29+$0x30]  }
0x295: {  	v6 =	vadd.f32 v6, v2;
	v2 =	vld [tilespmem:s30+$0x30]  }
0x296: {  	v3 =	vld [tilespmem:s31+$0x30]  }
0x297: {  	v6 =	vadd.f32 v7, v6;
	_ =	sdelay $0x1  }
0x298: {  	v6 =	vadd.f32 v8, v6;
	_ =	sdelay $0x1  }
0x299: {  	v6 =	vadd.f32 v9, v6;
	_ =	sdelay $0x1  }
0x29a: {  	v6 =	vadd.f32 v10, v6;
	_ =	sdelay $0x1  }
0x29b: {  	v4 =	vadd.f32 v4, v6;
	_ =	sdelay $0x1  }
.Ltmp0:
0x29c: {  	v4 =	vadd.f32 v11, v4;
	(pc) =	sbr.rel @p0 .LBB2_2-.Ltmp0, $3  }
0x29d: {  	_ = 	snop  }
0x29e: {  	v4 =	vadd.f32 v5, v4;
	_ =	sdelay $0x1  }
0x29f: {  	v4 =	vadd.f32 v12, v4  }
0x2a0: {  	_ = 	snop  }
0x2a1: {  	v1 =	vadd.f32 v1, v4;
	_ =	sdelay $0x1  }
0x2a2: {  	v0 =	vadd.f32 v0, v1;
	_ =	sdelay $0x1  }
0x2a3: {  	v0 =	vadd.f32 v2, v0;
	_ =	sdelay $0x1  }
0x2a4: {  	s10 =	sadd.s32 $0x1, s10;
	v0 =	vadd.f32 v3, v0  }
0x2a5: {  	p0 =	sne.s32 s10, s6  }
.Ltmp1:
0x2a6: {  	s0 =	simm.s32 $0x10400;
	[tilespmem:s12+$0x30] =	vst v0;
	(pc) =	sbr.rel @p0 .LBB2_1-.Ltmp1, $4  }
0x2a7: {  	[hbm4b:s5+s2] =	stream.linear.scatter [tilespmem:s0], [sflag:$0x1], $0x4000, $0x38;
	[tilespmem:$0x14400] =	vst v63  }
0x2a8: {  	_ =	swait.ge [sflag:s7], $0x4000  }
0x2a9: {  	[sflag:s7] =	ssyncset.done $0x0  }
0x2aa: {  	[sflag:s7] =	ssyncadd.s32 $0xFFFFC000  }
0x2ab: {  	_ =	sfence.sel $0x180000  }
0x2ac: {  	[bflag:$0x0] =	sbarrier.arrive $0xFFFF  }
0x2ad: {  	_ =	strace $0x90000047  }
0x2ae: {  	s0 =	stileid.u32;
	[bflag:$0x2] =	sbarrier.arrive $0xFFFF  }
0x2af: {  	p0 =	sne.s32 s0, $0x0;
	s0 =	rddreg [dreg:$0x2]  }
0x2b0: {  	s0 =	sadd.s32 @!p0 $0x100000, s0  }
0x2b1: {  	[sflag:s0] =	ssyncadd.tile.s32 @!p0 $0x1;
	_ =	shalt  }
.Lfunc_end2:
_tile_overlayer_lowered:
.L_overlay_start_2:
0x2b2: {  	(tag) =	ssettag $0x2  }
0x2b3: {  	s0 =	rddreg [dreg:$0x0];
	s2 =	stileid.u32  }
0x2b4: {  	s1 =	rddreg [dreg:$0x1];
	p0 =	sne.s32 s2, $0x0  }
0x2b5: {  	s3 =	rddreg [dreg:$0x2];
	[bflag:$0x3] =	sbarrier.arrive $0xFFFF;
	s2 =	simm.s32 @!p0 $0x1C01  }
0x2b6: {  	[timem:s3], [sflag:s2] =	dma.local @!p0 [hbm:s0], s1  }
0x2b7: {  	s0 =	simm.s32 @!p0 $0x1  }
0x2b8: {  	_ =	swait.ge @!p0 [sflag:s0], s1  }
0x2b9: {  	s1 =	ssub.s32 @!p0 $0x0, s1;
	[sflag:s0] =	ssyncset.done @!p0 $0x0  }
0x2ba: {  	[sflag:s0] =	ssyncadd.s32 @!p0 s1  }
0x2bb: {  	[bflag:$0x3] =	sbarrier.arrive $0xFFFF  }
0x2bc: {  	_ =	shalt  }

</sc_bundles>
